<compile_context>
chip_gen: v7x
topology: tpu7x:2x2x1
jax: 0.10.2.dev20260603
libtpu: 0.0.44.dev20260713+nightly
codegen_flags: <defaults>
</compile_context>

<pallas_src>
import jax
import jax.numpy as jnp
from jax import lax
from jax.experimental import pallas as pl
from jax.experimental.pallas import tpu as pltpu
from jax.experimental.pallas import tpu_sc as plsc

N = 10000
E = 320000
D = 128
H = 8
OUT = 8
F1 = 64
C = 16

NTILES = 32
EB = 128
NCHUNK = 79
EP = NTILES * NCHUNK * EB
PER_TILE = EP // NTILES
NP = 10112
ROWS_PER_SUB = NP // 16

_f32 = jnp.float32
_i32 = jnp.int32



def _node1_body(x_ref, w_ref, ad_ref, as_ref, h_ref, a_d_ref, a_s_ref,
                nmd_ref, nms_ref):
    i = pl.program_id(0)
    h = jnp.dot(x_ref[...], w_ref[...], preferred_element_type=_f32)
    h_ref[...] = h
    ad = jnp.dot(h, ad_ref[...], preferred_element_type=_f32)
    a_d_ref[...] = ad
    asr = jnp.dot(h, as_ref[...], preferred_element_type=_f32)
    a_s_ref[...] = asr
    md = jnp.broadcast_to(jnp.max(ad, axis=0, keepdims=True), (8, F1))
    ms = jnp.broadcast_to(jnp.max(asr, axis=0, keepdims=True), (8, F1))

    @pl.when(i == 0)
    def _():
        nmd_ref[...] = md
        nms_ref[...] = ms

    @pl.when(i > 0)
    def _():
        nmd_ref[...] = jnp.maximum(nmd_ref[...], md)
        nms_ref[...] = jnp.maximum(nms_ref[...], ms)


def _tc_node1(x, W1, A_dst, A_src):
    BN = 1000
    return pl.pallas_call(
        _node1_body,
        grid=(N // BN,),
        in_specs=[
            pl.BlockSpec((BN, D), lambda i: (i, 0)),
            pl.BlockSpec((D, F1), lambda i: (0, 0)),
            pl.BlockSpec((F1, F1), lambda i: (0, 0)),
            pl.BlockSpec((F1, F1), lambda i: (0, 0)),
        ],
        out_specs=[
            pl.BlockSpec((BN, F1), lambda i: (i, 0)),
            pl.BlockSpec((BN, F1), lambda i: (i, 0)),
            pl.BlockSpec((BN, F1), lambda i: (i, 0)),
            pl.BlockSpec((8, F1), lambda i: (0, 0)),
            pl.BlockSpec((8, F1), lambda i: (0, 0)),
        ],
        out_shape=[
            jax.ShapeDtypeStruct((N, F1), _f32),
            jax.ShapeDtypeStruct((N, F1), _f32),
            jax.ShapeDtypeStruct((N, F1), _f32),
            jax.ShapeDtypeStruct((8, F1), _f32),
            jax.ShapeDtypeStruct((8, F1), _f32),
        ],
    )(x, W1, A_dst, A_src)


def _edge_body(ea_ref, w1_ref, w2_ref, o1_ref, o2_ref, em1_ref, em2_ref):
    i = pl.program_id(0)
    ea = ea_ref[...]
    rows = lax.broadcasted_iota(_i32, (ea.shape[0], 1), 0) + i * ea.shape[0]
    pad = rows >= (E // 32)
    o1 = jnp.dot(ea, w1_ref[...], preferred_element_type=_f32)
    o1 = jnp.where(pad, -1e30, o1)
    o1_ref[...] = o1
    o2 = jnp.dot(ea, w2_ref[...], preferred_element_type=_f32)
    o2 = jnp.where(pad, -1e30, o2)
    o2_ref[...] = o2
    e1 = jnp.broadcast_to(jnp.max(o1, axis=0, keepdims=True), (8, 2048))
    e2 = jnp.broadcast_to(jnp.max(o2, axis=0, keepdims=True), (8, 512))

    @pl.when(i == 0)
    def _():
        em1_ref[...] = e1
        em2_ref[...] = e2

    @pl.when(i > 0)
    def _():
        em1_ref[...] = jnp.maximum(em1_ref[...], e1)
        em2_ref[...] = jnp.maximum(em2_ref[...], e2)


def _tc_edge(ea_r, W_big1, W_big2):
    BR = 632
    return pl.pallas_call(
        _edge_body,
        grid=(EP // 32 // BR,),
        in_specs=[
            pl.BlockSpec((BR, 128), lambda i: (i, 0)),
            pl.BlockSpec((128, 2048), lambda i: (0, 0)),
            pl.BlockSpec((128, 512), lambda i: (0, 0)),
        ],
        out_specs=[
            pl.BlockSpec((BR, 2048), lambda i: (i, 0)),
            pl.BlockSpec((BR, 512), lambda i: (i, 0)),
            pl.BlockSpec((8, 2048), lambda i: (0, 0)),
            pl.BlockSpec((8, 512), lambda i: (0, 0)),
        ],
        out_shape=[
            jax.ShapeDtypeStruct((EP // 32, 2048), _f32),
            jax.ShapeDtypeStruct((EP // 32, 512), _f32),
            jax.ShapeDtypeStruct((8, 2048), _f32),
            jax.ShapeDtypeStruct((8, 512), _f32),
        ],
    )(ea_r, W_big1, W_big2)


def _mid_body(o0_ref, o1_ref, d0_ref, d1_ref, b1_ref, w2_ref,
              bd_ref, bs_ref, h2_ref, a_d_ref, a_s_ref, nmd_ref, nms_ref):
    i = pl.program_id(0)
    h1 = ((o0_ref[...] + o1_ref[...])
          / (d0_ref[...] + d1_ref[...] + 1e-16) + b1_ref[...])
    hm = jnp.where(h1 > 0, h1, jnp.exp(h1) - 1.0)
    h2 = jnp.dot(hm, w2_ref[...], preferred_element_type=_f32)
    h2_ref[...] = h2
    ad = jnp.dot(h2, bd_ref[...], preferred_element_type=_f32)
    a_d_ref[...] = ad
    asr = jnp.dot(h2, bs_ref[...], preferred_element_type=_f32)
    a_s_ref[...] = asr
    md = jnp.broadcast_to(jnp.max(ad, axis=0, keepdims=True), (8, 16))
    ms = jnp.broadcast_to(jnp.max(asr, axis=0, keepdims=True), (8, 16))

    @pl.when(i == 0)
    def _():
        nmd_ref[...] = md
        nms_ref[...] = ms

    @pl.when(i > 0)
    def _():
        nmd_ref[...] = jnp.maximum(nmd_ref[...], md)
        nms_ref[...] = jnp.maximum(nms_ref[...], ms)


def _tc_mid(o0, o1, d0, d1, b1, W2, B_d, B_s):
    BN = 1000
    return pl.pallas_call(
        _mid_body,
        grid=(N // BN,),
        in_specs=[
            pl.BlockSpec((BN, F1), lambda i: (i, 0)),
            pl.BlockSpec((BN, F1), lambda i: (i, 0)),
            pl.BlockSpec((BN, F1), lambda i: (i, 0)),
            pl.BlockSpec((BN, F1), lambda i: (i, 0)),
            pl.BlockSpec((1, F1), lambda i: (0, 0)),
            pl.BlockSpec((F1, 16), lambda i: (0, 0)),
            pl.BlockSpec((16, 16), lambda i: (0, 0)),
            pl.BlockSpec((16, 16), lambda i: (0, 0)),
        ],
        out_specs=[
            pl.BlockSpec((BN, 16), lambda i: (i, 0)),
            pl.BlockSpec((BN, 16), lambda i: (i, 0)),
            pl.BlockSpec((BN, 16), lambda i: (i, 0)),
            pl.BlockSpec((8, 16), lambda i: (0, 0)),
            pl.BlockSpec((8, 16), lambda i: (0, 0)),
        ],
        out_shape=[
            jax.ShapeDtypeStruct((N, 16), _f32),
            jax.ShapeDtypeStruct((N, 16), _f32),
            jax.ShapeDtypeStruct((N, 16), _f32),
            jax.ShapeDtypeStruct((8, 16), _f32),
            jax.ShapeDtypeStruct((8, 16), _f32),
        ],
    )(o0, o1, d0, d1, b1, W2, B_d, B_s)


def _post_body(o0_ref, o1_ref, d0_ref, d1_ref, b2_ref, out_ref):
    o = (o0_ref[...] + o1_ref[...]) / (d0_ref[...] + d1_ref[...] + 1e-16)
    o = o + b2_ref[...]
    mx = jnp.max(o, axis=1, keepdims=True)
    s = o - mx
    ls = jnp.log(jnp.sum(jnp.exp(s), axis=1, keepdims=True))
    out_ref[...] = s - ls


def _tc_post(o0, o1, d0, d1, b2):
    BN = 1000
    return pl.pallas_call(
        _post_body,
        grid=(N // BN,),
        in_specs=[
            pl.BlockSpec((BN, C), lambda i: (i, 0)),
            pl.BlockSpec((BN, C), lambda i: (i, 0)),
            pl.BlockSpec((BN, C), lambda i: (i, 0)),
            pl.BlockSpec((BN, C), lambda i: (i, 0)),
            pl.BlockSpec((1, C), lambda i: (0, 0)),
        ],
        out_specs=pl.BlockSpec((BN, C), lambda i: (i, 0)),
        out_shape=jax.ShapeDtypeStruct((N, C), _f32),
    )(o0, o1, d0, d1, b2)



def _sc_layer(srcp, dstp, adst, asrc, ae, hT, m, z, Fdim):
    mesh = plsc.VectorSubcoreMesh(core_axis_name="c", subcore_axis_name="s",
                                  num_cores=2, num_subcores=16)
    NQ = Fdim // 16

    def body(src_hbm, dst_hbm, adst_hbm, asrc_hbm, ae_hbm, h_hbm, m_hbm,
             z_hbm, outp_hbm, denp_hbm,
             idxs_v, idxd_v, as_v, ad_v, ae_v, ex_v, h_v, m_v,
             out_sh, den_sh, sem):
        ci = lax.axis_index("c")
        si = lax.axis_index("s")
        tid = ci * 16 + si
        r0 = si * ROWS_PER_SUB
        pltpu.sync_copy(z_hbm.at[pl.ds(r0, ROWS_PER_SUB)],
                        out_sh.at[pl.ds(r0, ROWS_PER_SUB)])
        pltpu.sync_copy(z_hbm.at[pl.ds(r0, ROWS_PER_SUB)],
                        den_sh.at[pl.ds(r0, ROWS_PER_SUB)])
        pltpu.sync_copy(m_hbm, m_v)
        plsc.subcore_barrier()

        base_e = tid * PER_TILE
        mvecs = [m_v[pl.ds(cq * 16, 16)] for cq in range(NQ)]

        def chunk(it, carry):
            off = base_e + it * EB
            pltpu.sync_copy(src_hbm.at[pl.ds(off, EB)], idxs_v)
            pltpu.sync_copy(dst_hbm.at[pl.ds(off, EB)], idxd_v)
            d1 = pltpu.make_async_copy(asrc_hbm.at[idxs_v], as_v, sem)
            d1.start()
            d2 = pltpu.make_async_copy(adst_hbm.at[idxd_v], ad_v, sem)
            d2.start()
            d3 = pltpu.make_async_copy(h_hbm.at[idxs_v], h_v, sem)
            d3.start()
            d4 = pltpu.make_async_copy(ae_hbm.at[pl.ds(off, EB)], ae_v, sem)
            d4.start()
            d1.wait()
            d2.wait()
            d3.wait()
            d4.wait()

            def exrow(r, cc):
                for cq in range(NQ):
                    sl = pl.ds(cq * 16, 16)
                    s = as_v[r, sl] + ad_v[r, sl] + ae_v[r, sl]
                    s = jnp.maximum(s, 0.2 * s) - mvecs[cq]
                    e = jnp.exp(s)
                    ex_v[r, sl] = e
                    h_v[r, sl] = h_v[r, sl] * e
                return cc

            lax.fori_loop(0, EB, exrow, 0)
            pltpu.sync_copy(ex_v, den_sh.at[idxd_v], add=True)
            pltpu.sync_copy(h_v, out_sh.at[idxd_v], add=True)
            return carry

        lax.fori_loop(0, NCHUNK, chunk, 0)
        plsc.subcore_barrier()
        pltpu.sync_copy(out_sh.at[pl.ds(r0, ROWS_PER_SUB)],
                        outp_hbm.at[ci, pl.ds(r0, ROWS_PER_SUB)])
        pltpu.sync_copy(den_sh.at[pl.ds(r0, ROWS_PER_SUB)],
                        denp_hbm.at[ci, pl.ds(r0, ROWS_PER_SUB)])

    fn = pl.kernel(
        body,
        out_type=(jax.ShapeDtypeStruct((2, NP, Fdim), _f32),
                  jax.ShapeDtypeStruct((2, NP, Fdim), _f32)),
        mesh=mesh,
        scratch_types=[
            pltpu.VMEM((EB,), _i32),
            pltpu.VMEM((EB,), _i32),
            pltpu.VMEM((EB, Fdim), _f32),
            pltpu.VMEM((EB, Fdim), _f32),
            pltpu.VMEM((EB, Fdim), _f32),
            pltpu.VMEM((EB, Fdim), _f32),
            pltpu.VMEM((EB, Fdim), _f32),
            pltpu.VMEM((Fdim,), _f32),
            pltpu.VMEM_SHARED((NP, Fdim), _f32),
            pltpu.VMEM_SHARED((NP, Fdim), _f32),
            pltpu.SemaphoreType.DMA,
        ],
        compiler_params=pltpu.CompilerParams(use_tc_tiling_on_sc=False),
    )
    return fn(srcp, dstp, adst, asrc, ae, hT, m, z)



def kernel(x, edge_index, edge_attr, W1, We1, att1, b1, W2, We2, att2, b2):
    src = edge_index[0].astype(_i32)
    dst = edge_index[1].astype(_i32)
    pad = EP - E
    srcp = jnp.concatenate([src, jnp.zeros((pad,), _i32)])
    dstp = jnp.concatenate([dst, jnp.zeros((pad,), _i32)])

    eye8 = jnp.eye(8, dtype=_f32)
    A_dst = jnp.repeat(
        jnp.einsum("ho,hg->hog", att1[:, :OUT], eye8).reshape(F1, 8),
        8, axis=1)
    A_src = jnp.repeat(
        jnp.einsum("ho,hg->hog", att1[:, OUT:2 * OUT], eye8).reshape(F1, 8),
        8, axis=1)

    w_e1 = jnp.einsum("dho,ho->dh", We1.reshape(4, H, OUT), att1[:, 2 * OUT:])
    w_e1_64 = jnp.repeat(w_e1, 8, axis=1)
    w_e2 = We2 @ att2[0, 2 * C:]
    w_e2_16 = jnp.broadcast_to(w_e2[:, None], (4, 16))
    W_big1 = jnp.kron(jnp.eye(32, dtype=_f32), w_e1_64)
    W_big2 = jnp.kron(jnp.eye(32, dtype=_f32), w_e2_16)

    ea_pad = jnp.pad(edge_attr, ((0, pad), (0, 0)))
    ea_r = ea_pad.reshape(EP // 32, 128)

    B_d = jnp.tile(att2[0, :C][:, None], (1, 16))
    B_s = jnp.tile(att2[0, C:2 * C][:, None], (1, 16))

    zf1 = jnp.zeros((NP, F1), _f32)
    zf2 = jnp.zeros((NP, C), _f32)

    ae1_r, ae2_r, em1, em2 = _tc_edge(ea_r, W_big1, W_big2)
    ae1 = ae1_r.reshape(EP, F1)
    ae2 = ae2_r.reshape(EP, C)
    em1_f = jnp.max(em1[0].reshape(32, F1), axis=0)
    em2_f = jnp.max(em2[0].reshape(32, C), axis=0)

    h1, adst1, asrc1, nmd1, nms1 = _tc_node1(x, W1, A_dst, A_src)
    m1 = nmd1[0] + nms1[0] + em1_f

    outp1, denp1 = _sc_layer(srcp, dstp, adst1, asrc1, ae1, h1, m1, zf1, F1)

    h2, adst2, asrc2, nmd2, nms2 = _tc_mid(
        outp1[0, :N], outp1[1, :N], denp1[0, :N], denp1[1, :N],
        b1.reshape(1, F1), W2, B_d, B_s)
    m2 = nmd2[0] + nms2[0] + em2_f

    outp2, denp2 = _sc_layer(srcp, dstp, adst2, asrc2, ae2, h2, m2, zf2, C)

    return _tc_post(outp2[0, :N], outp2[1, :N], denp2[0, :N], denp2[1, :N],
                    b2.reshape(1, C))

# --- scband reference (transcript-rebuilt; emitter-appended) ---
"""Pipeline reference for scband-net-77893526880871 (READ-ONLY COPY).

The authoritative reference and input builder live on the scoring server;
editing this copy changes nothing except your own understanding.
"""

import jax, jax.numpy as jnp
import numpy as np

N = 10000
E = 320000
D = 128
DE = 4
H = 8
OUT = 8
C = 16


def setup_inputs(seed: int = 0) -> dict:
    key = jax.random.key(seed)
    ks = jax.random.split(key, 12)
    x = jax.random.normal(ks[0], (N, D), dtype=jnp.float32)
    edge_index = jax.random.randint(ks[1], (2, E), 0, N)
    edge_attr = jax.random.uniform(ks[2], (E, DE), dtype=jnp.float32)
    # layer 1 params: EGATConv(128, 8, heads=8, edge_dim=4)
    W1 = jax.random.normal(ks[3], (D, H * OUT), dtype=jnp.float32) * (1.0 / np.sqrt(D))
    We1 = jax.random.normal(ks[4], (DE, H * OUT), dtype=jnp.float32) * (1.0 / np.sqrt(DE))
    att1 = jax.random.normal(ks[5], (H, 3 * OUT), dtype=jnp.float32) * 0.1
    b1 = jnp.zeros((H * OUT,), dtype=jnp.float32)
    # layer 2 params: EGATConv(64, 16, heads=1, edge_dim=4)
    W2 = jax.random.normal(ks[6], (H * OUT, C), dtype=jnp.float32) * (1.0 / np.sqrt(H * OUT))
    We2 = jax.random.normal(ks[7], (DE, C), dtype=jnp.float32) * (1.0 / np.sqrt(DE))
    att2 = jax.random.normal(ks[8], (1, 3 * C), dtype=jnp.float32) * 0.1
    b2 = jnp.zeros((C,), dtype=jnp.float32)
    return {"x": x, "edge_index": edge_index, "edge_attr": edge_attr,
            "W1": W1, "We1": We1, "att1": att1, "b1": b1,
            "W2": W2, "We2": We2, "att2": att2, "b2": b2}


def _egat_conv(x, edge_index, edge_attr, W, We, att, b, heads, out_ch):
    n = x.shape[0]
    src = edge_index[0]
    dst = edge_index[1]
    h = (x @ W).reshape(n, heads, out_ch)
    e = (edge_attr @ We).reshape(-1, heads, out_ch)
    h_src = jnp.take(h, src, axis=0)
    h_dst = jnp.take(h, dst, axis=0)
    feat = jnp.concatenate([h_dst, h_src, e], axis=-1)  # [E, heads, 3*out]
    logits = jax.nn.leaky_relu(jnp.sum(feat * att[None], axis=-1), 0.2)  # [E, heads]
    m = jax.ops.segment_max(logits, dst, num_segments=n)
    m = jnp.where(jnp.isneginf(m), 0.0, m)
    m = jax.lax.stop_gradient(m)
    ex = jnp.exp(logits - jnp.take(m, dst, axis=0))
    denom = jax.ops.segment_sum(ex, dst, num_segments=n)
    alpha = ex / (jnp.take(denom, dst, axis=0) + 1e-16)
    out = jax.ops.segment_sum(h_src * alpha[..., None], dst, num_segments=n)
    return out.reshape(n, heads * out_ch) + b


def reference(x, edge_index, edge_attr, W1, We1, att1, b1, W2, We2, att2, b2):
    # eval mode: dropout is identity
    h = jax.nn.elu(_egat_conv(x, edge_index, edge_attr, W1, We1, att1, b1, H, OUT))
    o = _egat_conv(h, edge_index, edge_attr, W2, We2, att2, b2, 1, C)
    return jax.nn.log_softmax(o, axis=1)

if __name__ == "__main__":
    import jax
    _d = setup_inputs()
    print(jax.jit(kernel)(*tuple(_d.values())))

</pallas_src>

<mosaic_0001>
#map = affine_map<(d0, d1) -> (0)>
#map1 = affine_map<(d0, d1) -> (0, 0)>
#map2 = affine_map<(d0, d1) -> (0, 0, 0)>
module attributes {stable_mosaic.version = 14 : i64} {
  func.func @body(%arg0: i32, %arg1: i32, %arg2: memref<323584xi32, #tpu.memory_space<hbm>>, %arg3: memref<323584xi32, #tpu.memory_space<hbm>>, %arg4: memref<10000x16xf32, #tpu.memory_space<hbm>>, %arg5: memref<10000x16xf32, #tpu.memory_space<hbm>>, %arg6: memref<323584x16xf32, #tpu.memory_space<hbm>>, %arg7: memref<10000x16xf32, #tpu.memory_space<hbm>>, %arg8: memref<16xf32, #tpu.memory_space<hbm>>, %arg9: memref<10112x16xf32, #tpu.memory_space<hbm>>, %arg10: memref<2x10112x16xf32, #tpu.memory_space<hbm>>, %arg11: memref<2x10112x16xf32, #tpu.memory_space<hbm>>, %arg12: memref<128xi32, #tpu.memory_space<vmem>>, %arg13: memref<128xi32, #tpu.memory_space<vmem>>, %arg14: memref<128x16xf32, #tpu.memory_space<vmem>>, %arg15: memref<128x16xf32, #tpu.memory_space<vmem>>, %arg16: memref<128x16xf32, #tpu.memory_space<vmem>>, %arg17: memref<128x16xf32, #tpu.memory_space<vmem>>, %arg18: memref<128x16xf32, #tpu.memory_space<vmem>>, %arg19: memref<16xf32, #tpu.memory_space<vmem>>, %arg20: memref<10112x16xf32, #tpu.memory_space<vmem_shared>>, %arg21: memref<10112x16xf32, #tpu.memory_space<vmem_shared>>, %arg22: memref<!tpu.dma_semaphore, #tpu.memory_space<semaphore_mem>>) attributes {dimension_semantics = [#tpu.dimension_semantics<core_parallel>, #tpu.dimension_semantics<subcore_parallel>], iteration_bounds = array<i64: 2, 16>, scalar_prefetch = 0 : i64, scratch_operands = 11 : i64, tpu.core_type = #tpu.core_type<sc_vector_subcore>, window_params = [{transform_indices = #map}, {transform_indices = #map}, {transform_indices = #map1}, {transform_indices = #map1}, {transform_indices = #map1}, {transform_indices = #map1}, {transform_indices = #map}, {transform_indices = #map1}, {transform_indices = #map2}, {transform_indices = #map2}]} {
    %mul3A = arith.constant 16 : i32
    %mul3A_0 = arith.muli %arg0, %mul3A : i32
    %add3A = arith.addi %mul3A_0, %arg1 : i32
    %mul3A_1 = arith.constant 632 : i32
    %mul3A_2 = arith.muli %arg1, %mul3A_1 : i32
    "tpu.region"() ({
      %run_scoped3A = tpu.sem_alloc : memref<!tpu.dma_semaphore, #tpu.memory_space<semaphore_mem>>
      %dma_start3A = arith.constant 0 : i32
      %dma_start3A_13 = tpu.memref_slice %arg20[%mul3A_2, %dma_start3A] : memref<10112x16xf32, #tpu.memory_space<vmem_shared>> -> memref<632x16xf32, #tpu.memory_space<vmem_shared>>
      %dma_start3A_14 = arith.constant 0 : i32
      %dma_start3A_15 = tpu.memref_slice %arg9[%mul3A_2, %dma_start3A_14] : memref<10112x16xf32, #tpu.memory_space<hbm>> -> memref<632x16xf32, #tpu.memory_space<hbm>>
      tpu.enqueue_dma source(%dma_start3A_15 : memref<632x16xf32, #tpu.memory_space<hbm>>) target(%dma_start3A_13 : memref<632x16xf32, #tpu.memory_space<vmem_shared>>) target_semaphore(%run_scoped3A : memref<!tpu.dma_semaphore, #tpu.memory_space<semaphore_mem>>)
      %dma_wait3A = arith.constant 0 : i32
      %dma_wait3A_16 = tpu.memref_slice %arg20[%mul3A_2, %dma_wait3A] : memref<10112x16xf32, #tpu.memory_space<vmem_shared>> -> memref<632x16xf32, #tpu.memory_space<vmem_shared>>
      %dma_wait3A_17 = arith.constant 0 : i32
      %dma_wait3A_18 = tpu.memref_slice %arg9[%mul3A_2, %dma_wait3A_17] : memref<10112x16xf32, #tpu.memory_space<hbm>> -> memref<632x16xf32, #tpu.memory_space<hbm>>
      tpu.wait_dma2 semaphore(%run_scoped3A : memref<!tpu.dma_semaphore, #tpu.memory_space<semaphore_mem>>) src(%dma_wait3A_18 : memref<632x16xf32, #tpu.memory_space<hbm>>) dst(%dma_wait3A_16 : memref<632x16xf32, #tpu.memory_space<vmem_shared>>)
      tpu.yield
    }) : () -> ()
    "tpu.region"() ({
      %run_scoped3A = tpu.sem_alloc : memref<!tpu.dma_semaphore, #tpu.memory_space<semaphore_mem>>
      %dma_start3A = arith.constant 0 : i32
      %dma_start3A_13 = tpu.memref_slice %arg21[%mul3A_2, %dma_start3A] : memref<10112x16xf32, #tpu.memory_space<vmem_shared>> -> memref<632x16xf32, #tpu.memory_space<vmem_shared>>
      %dma_start3A_14 = arith.constant 0 : i32
      %dma_start3A_15 = tpu.memref_slice %arg9[%mul3A_2, %dma_start3A_14] : memref<10112x16xf32, #tpu.memory_space<hbm>> -> memref<632x16xf32, #tpu.memory_space<hbm>>
      tpu.enqueue_dma source(%dma_start3A_15 : memref<632x16xf32, #tpu.memory_space<hbm>>) target(%dma_start3A_13 : memref<632x16xf32, #tpu.memory_space<vmem_shared>>) target_semaphore(%run_scoped3A : memref<!tpu.dma_semaphore, #tpu.memory_space<semaphore_mem>>)
      %dma_wait3A = arith.constant 0 : i32
      %dma_wait3A_16 = tpu.memref_slice %arg21[%mul3A_2, %dma_wait3A] : memref<10112x16xf32, #tpu.memory_space<vmem_shared>> -> memref<632x16xf32, #tpu.memory_space<vmem_shared>>
      %dma_wait3A_17 = arith.constant 0 : i32
      %dma_wait3A_18 = tpu.memref_slice %arg9[%mul3A_2, %dma_wait3A_17] : memref<10112x16xf32, #tpu.memory_space<hbm>> -> memref<632x16xf32, #tpu.memory_space<hbm>>
      tpu.wait_dma2 semaphore(%run_scoped3A : memref<!tpu.dma_semaphore, #tpu.memory_space<semaphore_mem>>) src(%dma_wait3A_18 : memref<632x16xf32, #tpu.memory_space<hbm>>) dst(%dma_wait3A_16 : memref<632x16xf32, #tpu.memory_space<vmem_shared>>)
      tpu.yield
    }) : () -> ()
    "tpu.region"() ({
      %run_scoped3A = tpu.sem_alloc : memref<!tpu.dma_semaphore, #tpu.memory_space<semaphore_mem>>
      tpu.enqueue_dma source(%arg8 : memref<16xf32, #tpu.memory_space<hbm>>) target(%arg19 : memref<16xf32, #tpu.memory_space<vmem>>) target_semaphore(%run_scoped3A : memref<!tpu.dma_semaphore, #tpu.memory_space<semaphore_mem>>)
      tpu.wait_dma2 semaphore(%run_scoped3A : memref<!tpu.dma_semaphore, #tpu.memory_space<semaphore_mem>>) src(%arg8 : memref<16xf32, #tpu.memory_space<hbm>>) dst(%arg19 : memref<16xf32, #tpu.memory_space<vmem>>)
      tpu.yield
    }) : () -> ()
    %barrier3A = arith.constant 0 : index
    tpu.barrier barrier_id(%barrier3A)
    %mul3A_3 = arith.constant 10112 : i32
    %mul3A_4 = arith.muli %add3A, %mul3A_3 : i32
    %get3A = arith.constant 0 : index
    %get3A_5 = tpu.vector_load %arg19[%get3A] {strides = array<i32>} : memref<16xf32, #tpu.memory_space<vmem>>, vector<16xf32>,
    %get3A_6 = vector.shape_cast %get3A_5 : vector<16xf32> to vector<16xf32>
    %scan3A = arith.constant 0 : i32
    %scan3A_7 = arith.constant 0 : i32
    %scan3A_8 = arith.constant 79 : i32
    %scan3A_9 = arith.addi %scan3A_7, %scan3A_8 : i32
    %scan3A_10 = arith.constant 1 : i32
    scf.for %scan3A_13 = %scan3A_7 to %scan3A_9 step %scan3A_10  : i32 {
      %mul3A_14 = arith.constant 128 : i32
      %mul3A_15 = arith.muli %scan3A_13, %mul3A_14 : i32
      %add3A_16 = arith.addi %mul3A_4, %mul3A_15 : i32
      "tpu.region"() ({
        %run_scoped3A = tpu.sem_alloc : memref<!tpu.dma_semaphore, #tpu.memory_space<semaphore_mem>>
        %dma_start3A_47 = tpu.memref_slice %arg2[%add3A_16] : memref<323584xi32, #tpu.memory_space<hbm>> -> memref<128xi32, #tpu.memory_space<hbm>>
        %dma_start3A_48 = tpu.memref_slice %arg2[%add3A_16] : memref<323584xi32, #tpu.memory_space<hbm>> -> memref<128xi32, #tpu.memory_space<hbm>>
        tpu.enqueue_dma source(%dma_start3A_48 : memref<128xi32, #tpu.memory_space<hbm>>) target(%arg12 : memref<128xi32, #tpu.memory_space<vmem>>) target_semaphore(%run_scoped3A : memref<!tpu.dma_semaphore, #tpu.memory_space<semaphore_mem>>)
        %dma_wait3A_49 = tpu.memref_slice %arg2[%add3A_16] : memref<323584xi32, #tpu.memory_space<hbm>> -> memref<128xi32, #tpu.memory_space<hbm>>
        %dma_wait3A_50 = tpu.memref_slice %arg2[%add3A_16] : memref<323584xi32, #tpu.memory_space<hbm>> -> memref<128xi32, #tpu.memory_space<hbm>>
        tpu.wait_dma2 semaphore(%run_scoped3A : memref<!tpu.dma_semaphore, #tpu.memory_space<semaphore_mem>>) src(%dma_wait3A_50 : memref<128xi32, #tpu.memory_space<hbm>>) dst(%arg12 : memref<128xi32, #tpu.memory_space<vmem>>)
        tpu.yield
      }) : () -> ()
      "tpu.region"() ({
        %run_scoped3A = tpu.sem_alloc : memref<!tpu.dma_semaphore, #tpu.memory_space<semaphore_mem>>
        %dma_start3A_47 = tpu.memref_slice %arg3[%add3A_16] : memref<323584xi32, #tpu.memory_space<hbm>> -> memref<128xi32, #tpu.memory_space<hbm>>
        %dma_start3A_48 = tpu.memref_slice %arg3[%add3A_16] : memref<323584xi32, #tpu.memory_space<hbm>> -> memref<128xi32, #tpu.memory_space<hbm>>
        tpu.enqueue_dma source(%dma_start3A_48 : memref<128xi32, #tpu.memory_space<hbm>>) target(%arg13 : memref<128xi32, #tpu.memory_space<vmem>>) target_semaphore(%run_scoped3A : memref<!tpu.dma_semaphore, #tpu.memory_space<semaphore_mem>>)
        %dma_wait3A_49 = tpu.memref_slice %arg3[%add3A_16] : memref<323584xi32, #tpu.memory_space<hbm>> -> memref<128xi32, #tpu.memory_space<hbm>>
        %dma_wait3A_50 = tpu.memref_slice %arg3[%add3A_16] : memref<323584xi32, #tpu.memory_space<hbm>> -> memref<128xi32, #tpu.memory_space<hbm>>
        tpu.wait_dma2 semaphore(%run_scoped3A : memref<!tpu.dma_semaphore, #tpu.memory_space<semaphore_mem>>) src(%dma_wait3A_50 : memref<128xi32, #tpu.memory_space<hbm>>) dst(%arg13 : memref<128xi32, #tpu.memory_space<vmem>>)
        tpu.yield
      }) : () -> ()
      %dma_start3A = arith.constant 0 : i32
      %dma_start3A_17 = arith.constant 0 : i32
      %dma_start3A_18 = tpu.memref_slice %arg5[%dma_start3A, %dma_start3A_17] : memref<10000x16xf32, #tpu.memory_space<hbm>> -> memref<10000x16xf32, #tpu.memory_space<hbm>>
      tpu.enqueue_indirect_dma source(%dma_start3A_18 : memref<10000x16xf32, #tpu.memory_space<hbm>>) target(%arg14 : memref<128x16xf32, #tpu.memory_space<vmem>>) offsets(%arg12 : memref<128xi32, #tpu.memory_space<vmem>>) semaphore(%arg22 : memref<!tpu.dma_semaphore, #tpu.memory_space<semaphore_mem>>)
      %dma_start3A_19 = arith.constant 0 : i32
      %dma_start3A_20 = arith.constant 0 : i32
      %dma_start3A_21 = tpu.memref_slice %arg4[%dma_start3A_19, %dma_start3A_20] : memref<10000x16xf32, #tpu.memory_space<hbm>> -> memref<10000x16xf32, #tpu.memory_space<hbm>>
      tpu.enqueue_indirect_dma source(%dma_start3A_21 : memref<10000x16xf32, #tpu.memory_space<hbm>>) target(%arg15 : memref<128x16xf32, #tpu.memory_space<vmem>>) offsets(%arg13 : memref<128xi32, #tpu.memory_space<vmem>>) semaphore(%arg22 : memref<!tpu.dma_semaphore, #tpu.memory_space<semaphore_mem>>)
      %dma_start3A_22 = arith.constant 0 : i32
      %dma_start3A_23 = arith.constant 0 : i32
      %dma_start3A_24 = tpu.memref_slice %arg7[%dma_start3A_22, %dma_start3A_23] : memref<10000x16xf32, #tpu.memory_space<hbm>> -> memref<10000x16xf32, #tpu.memory_space<hbm>>
      tpu.enqueue_indirect_dma source(%dma_start3A_24 : memref<10000x16xf32, #tpu.memory_space<hbm>>) target(%arg18 : memref<128x16xf32, #tpu.memory_space<vmem>>) offsets(%arg12 : memref<128xi32, #tpu.memory_space<vmem>>) semaphore(%arg22 : memref<!tpu.dma_semaphore, #tpu.memory_space<semaphore_mem>>)
      %dma_start3A_25 = arith.constant 0 : i32
      %dma_start3A_26 = tpu.memref_slice %arg6[%add3A_16, %dma_start3A_25] : memref<323584x16xf32, #tpu.memory_space<hbm>> -> memref<128x16xf32, #tpu.memory_space<hbm>>
      %dma_start3A_27 = arith.constant 0 : i32
      %dma_start3A_28 = tpu.memref_slice %arg6[%add3A_16, %dma_start3A_27] : memref<323584x16xf32, #tpu.memory_space<hbm>> -> memref<128x16xf32, #tpu.memory_space<hbm>>
      tpu.enqueue_dma source(%dma_start3A_28 : memref<128x16xf32, #tpu.memory_space<hbm>>) target(%arg16 : memref<128x16xf32, #tpu.memory_space<vmem>>) target_semaphore(%arg22 : memref<!tpu.dma_semaphore, #tpu.memory_space<semaphore_mem>>)
      %dma_wait3A = arith.constant 0 : i32
      %dma_wait3A_29 = arith.constant 0 : i32
      %dma_wait3A_30 = tpu.memref_slice %arg5[%dma_wait3A, %dma_wait3A_29] : memref<10000x16xf32, #tpu.memory_space<hbm>> -> memref<10000x16xf32, #tpu.memory_space<hbm>>
      tpu.wait_indirect_dma semaphore(%arg22 : memref<!tpu.dma_semaphore, #tpu.memory_space<semaphore_mem>>) src(%dma_wait3A_30 : memref<10000x16xf32, #tpu.memory_space<hbm>>) dst(%arg14 : memref<128x16xf32, #tpu.memory_space<vmem>>)
      %dma_wait3A_31 = arith.constant 0 : i32
      %dma_wait3A_32 = arith.constant 0 : i32
      %dma_wait3A_33 = tpu.memref_slice %arg4[%dma_wait3A_31, %dma_wait3A_32] : memref<10000x16xf32, #tpu.memory_space<hbm>> -> memref<10000x16xf32, #tpu.memory_space<hbm>>
      tpu.wait_indirect_dma semaphore(%arg22 : memref<!tpu.dma_semaphore, #tpu.memory_space<semaphore_mem>>) src(%dma_wait3A_33 : memref<10000x16xf32, #tpu.memory_space<hbm>>) dst(%arg15 : memref<128x16xf32, #tpu.memory_space<vmem>>)
      %dma_wait3A_34 = arith.constant 0 : i32
      %dma_wait3A_35 = arith.constant 0 : i32
      %dma_wait3A_36 = tpu.memref_slice %arg7[%dma_wait3A_34, %dma_wait3A_35] : memref<10000x16xf32, #tpu.memory_space<hbm>> -> memref<10000x16xf32, #tpu.memory_space<hbm>>
      tpu.wait_indirect_dma semaphore(%arg22 : memref<!tpu.dma_semaphore, #tpu.memory_space<semaphore_mem>>) src(%dma_wait3A_36 : memref<10000x16xf32, #tpu.memory_space<hbm>>) dst(%arg18 : memref<128x16xf32, #tpu.memory_space<vmem>>)
      %dma_wait3A_37 = arith.constant 0 : i32
      %dma_wait3A_38 = tpu.memref_slice %arg6[%add3A_16, %dma_wait3A_37] : memref<323584x16xf32, #tpu.memory_space<hbm>> -> memref<128x16xf32, #tpu.memory_space<hbm>>
      %dma_wait3A_39 = arith.constant 0 : i32
      %dma_wait3A_40 = tpu.memref_slice %arg6[%add3A_16, %dma_wait3A_39] : memref<323584x16xf32, #tpu.memory_space<hbm>> -> memref<128x16xf32, #tpu.memory_space<hbm>>
      tpu.wait_dma2 semaphore(%arg22 : memref<!tpu.dma_semaphore, #tpu.memory_space<semaphore_mem>>) src(%dma_wait3A_40 : memref<128x16xf32, #tpu.memory_space<hbm>>) dst(%arg16 : memref<128x16xf32, #tpu.memory_space<vmem>>)
      %scan3A_41 = arith.constant 0 : i32
      %scan3A_42 = arith.constant 0 : i32
      %scan3A_43 = arith.constant 128 : i32
      %scan3A_44 = arith.addi %scan3A_42, %scan3A_43 : i32
      %scan3A_45 = arith.constant 1 : i32
      scf.for %scan3A_47 = %scan3A_42 to %scan3A_44 step %scan3A_45  : i32 {
        %get3A_48 = arith.index_cast %scan3A_47 : i32 to index
        %get3A_49 = arith.constant 0 : index
        %get3A_50 = tpu.vector_load %arg14[%get3A_48, %get3A_49] {strides = array<i32>} : memref<128x16xf32, #tpu.memory_space<vmem>>, vector<1x16xf32>,
        %get3A_51 = vector.shape_cast %get3A_50 : vector<1x16xf32> to vector<16xf32>
        %get3A_52 = arith.index_cast %scan3A_47 : i32 to index
        %get3A_53 = arith.constant 0 : index
        %get3A_54 = tpu.vector_load %arg15[%get3A_52, %get3A_53] {strides = array<i32>} : memref<128x16xf32, #tpu.memory_space<vmem>>, vector<1x16xf32>,
        %get3A_55 = vector.shape_cast %get3A_54 : vector<1x16xf32> to vector<16xf32>
        %add3A_56 = arith.addf %get3A_51, %get3A_55 : vector<16xf32>
        %get3A_57 = arith.index_cast %scan3A_47 : i32 to index
        %get3A_58 = arith.constant 0 : index
        %get3A_59 = tpu.vector_load %arg16[%get3A_57, %get3A_58] {strides = array<i32>} : memref<128x16xf32, #tpu.memory_space<vmem>>, vector<1x16xf32>,
        %get3A_60 = vector.shape_cast %get3A_59 : vector<1x16xf32> to vector<16xf32>
        %add3A_61 = arith.addf %add3A_56, %get3A_60 : vector<16xf32>
        %mul3A_62 = arith.constant 2.000000e-01 : f32
        %mul3A_63 = vector.broadcast %mul3A_62 : f32 to vector<16xf32>
        %mul3A_64 = arith.mulf %mul3A_63, %add3A_61 : vector<16xf32>
        %max3A = arith.maximumf %add3A_61, %mul3A_64 : vector<16xf32>
        %sub3A = arith.subf %max3A, %get3A_6 : vector<16xf32>
        %exp3A = math.exp %sub3A : vector<16xf32>
        %swap3A = arith.index_cast %scan3A_47 : i32 to index
        %swap3A_65 = arith.constant 0 : index
        %swap3A_66 = tpu.vector_load %arg17[%swap3A, %swap3A_65] {strides = array<i32>} : memref<128x16xf32, #tpu.memory_space<vmem>>, vector<1x16xf32>,
        %swap3A_67 = vector.shape_cast %swap3A_66 : vector<1x16xf32> to vector<16xf32>
        %swap3A_68 = vector.shape_cast %exp3A : vector<16xf32> to vector<1x16xf32>
        tpu.vector_store %arg17[%swap3A, %swap3A_65], %swap3A_68 {strides = array<i32>} : memref<128x16xf32, #tpu.memory_space<vmem>>, vector<1x16xf32>,
        %get3A_69 = arith.index_cast %scan3A_47 : i32 to index
        %get3A_70 = arith.constant 0 : index
        %get3A_71 = tpu.vector_load %arg18[%get3A_69, %get3A_70] {strides = array<i32>} : memref<128x16xf32, #tpu.memory_space<vmem>>, vector<1x16xf32>,
        %get3A_72 = vector.shape_cast %get3A_71 : vector<1x16xf32> to vector<16xf32>
        %mul3A_73 = arith.mulf %get3A_72, %exp3A : vector<16xf32>
        %swap3A_74 = arith.index_cast %scan3A_47 : i32 to index
        %swap3A_75 = arith.constant 0 : index
        %swap3A_76 = tpu.vector_load %arg18[%swap3A_74, %swap3A_75] {strides = array<i32>} : memref<128x16xf32, #tpu.memory_space<vmem>>, vector<1x16xf32>,
        %swap3A_77 = vector.shape_cast %swap3A_76 : vector<1x16xf32> to vector<16xf32>
        %swap3A_78 = vector.shape_cast %mul3A_73 : vector<16xf32> to vector<1x16xf32>
        tpu.vector_store %arg18[%swap3A_74, %swap3A_75], %swap3A_78 {strides = array<i32>} : memref<128x16xf32, #tpu.memory_space<vmem>>, vector<1x16xf32>,
      }
      %scan3A_46 = arith.constant 128 : i32
      "tpu.region"() ({
        %run_scoped3A = tpu.sem_alloc : memref<!tpu.dma_semaphore, #tpu.memory_space<semaphore_mem>>
        %dma_start3A_47 = arith.constant 0 : i32
        %dma_start3A_48 = arith.constant 0 : i32
        %dma_start3A_49 = tpu.memref_slice %arg21[%dma_start3A_47, %dma_start3A_48] : memref<10112x16xf32, #tpu.memory_space<vmem_shared>> -> memref<10112x16xf32, #tpu.memory_space<vmem_shared>>
        tpu.enqueue_indirect_dma source(%arg17 : memref<128x16xf32, #tpu.memory_space<vmem>>) target(%dma_start3A_49 : memref<10112x16xf32, #tpu.memory_space<vmem_shared>>) offsets(%arg13 : memref<128xi32, #tpu.memory_space<vmem>>) semaphore(%run_scoped3A : memref<!tpu.dma_semaphore, #tpu.memory_space<semaphore_mem>>) {add = true}
        %dma_wait3A_50 = arith.constant 0 : i32
        %dma_wait3A_51 = arith.constant 0 : i32
        %dma_wait3A_52 = tpu.memref_slice %arg21[%dma_wait3A_50, %dma_wait3A_51] : memref<10112x16xf32, #tpu.memory_space<vmem_shared>> -> memref<10112x16xf32, #tpu.memory_space<vmem_shared>>
        tpu.wait_indirect_dma semaphore(%run_scoped3A : memref<!tpu.dma_semaphore, #tpu.memory_space<semaphore_mem>>) src(%arg17 : memref<128x16xf32, #tpu.memory_space<vmem>>) dst(%dma_wait3A_52 : memref<10112x16xf32, #tpu.memory_space<vmem_shared>>)
        tpu.yield
      }) : () -> ()
      "tpu.region"() ({
        %run_scoped3A = tpu.sem_alloc : memref<!tpu.dma_semaphore, #tpu.memory_space<semaphore_mem>>
        %dma_start3A_47 = arith.constant 0 : i32
        %dma_start3A_48 = arith.constant 0 : i32
        %dma_start3A_49 = tpu.memref_slice %arg20[%dma_start3A_47, %dma_start3A_48] : memref<10112x16xf32, #tpu.memory_space<vmem_shared>> -> memref<10112x16xf32, #tpu.memory_space<vmem_shared>>
        tpu.enqueue_indirect_dma source(%arg18 : memref<128x16xf32, #tpu.memory_space<vmem>>) target(%dma_start3A_49 : memref<10112x16xf32, #tpu.memory_space<vmem_shared>>) offsets(%arg13 : memref<128xi32, #tpu.memory_space<vmem>>) semaphore(%run_scoped3A : memref<!tpu.dma_semaphore, #tpu.memory_space<semaphore_mem>>) {add = true}
        %dma_wait3A_50 = arith.constant 0 : i32
        %dma_wait3A_51 = arith.constant 0 : i32
        %dma_wait3A_52 = tpu.memref_slice %arg20[%dma_wait3A_50, %dma_wait3A_51] : memref<10112x16xf32, #tpu.memory_space<vmem_shared>> -> memref<10112x16xf32, #tpu.memory_space<vmem_shared>>
        tpu.wait_indirect_dma semaphore(%run_scoped3A : memref<!tpu.dma_semaphore, #tpu.memory_space<semaphore_mem>>) src(%arg18 : memref<128x16xf32, #tpu.memory_space<vmem>>) dst(%dma_wait3A_52 : memref<10112x16xf32, #tpu.memory_space<vmem_shared>>)
        tpu.yield
      }) : () -> ()
    }
    %scan3A_11 = arith.constant 79 : i32
    %barrier3A_12 = arith.constant 0 : index
    tpu.barrier barrier_id(%barrier3A_12)
    "tpu.region"() ({
      %run_scoped3A = tpu.sem_alloc : memref<!tpu.dma_semaphore, #tpu.memory_space<semaphore_mem>>
      %dma_start3A = arith.constant 0 : i32
      %dma_start3A_13 = tpu.memref_slice %arg10[%arg0, %mul3A_2, %dma_start3A] : memref<2x10112x16xf32, #tpu.memory_space<hbm>> -> memref<1x632x16xf32, #tpu.memory_space<hbm>>
      %dma_start3A_14 = tpu.memref_squeeze %dma_start3A_13 : memref<1x632x16xf32, #tpu.memory_space<hbm>> -> memref<632x16xf32, #tpu.memory_space<hbm>>
      %dma_start3A_15 = arith.constant 0 : i32
      %dma_start3A_16 = tpu.memref_slice %arg20[%mul3A_2, %dma_start3A_15] : memref<10112x16xf32, #tpu.memory_space<vmem_shared>> -> memref<632x16xf32, #tpu.memory_space<vmem_shared>>
      tpu.enqueue_dma source(%dma_start3A_16 : memref<632x16xf32, #tpu.memory_space<vmem_shared>>) target(%dma_start3A_14 : memref<632x16xf32, #tpu.memory_space<hbm>>) target_semaphore(%run_scoped3A : memref<!tpu.dma_semaphore, #tpu.memory_space<semaphore_mem>>)
      %dma_wait3A = arith.constant 0 : i32
      %dma_wait3A_17 = tpu.memref_slice %arg10[%arg0, %mul3A_2, %dma_wait3A] : memref<2x10112x16xf32, #tpu.memory_space<hbm>> -> memref<1x632x16xf32, #tpu.memory_space<hbm>>
      %dma_wait3A_18 = tpu.memref_squeeze %dma_wait3A_17 : memref<1x632x16xf32, #tpu.memory_space<hbm>> -> memref<632x16xf32, #tpu.memory_space<hbm>>
      %dma_wait3A_19 = arith.constant 0 : i32
      %dma_wait3A_20 = tpu.memref_slice %arg20[%mul3A_2, %dma_wait3A_19] : memref<10112x16xf32, #tpu.memory_space<vmem_shared>> -> memref<632x16xf32, #tpu.memory_space<vmem_shared>>
      tpu.wait_dma2 semaphore(%run_scoped3A : memref<!tpu.dma_semaphore, #tpu.memory_space<semaphore_mem>>) src(%dma_wait3A_20 : memref<632x16xf32, #tpu.memory_space<vmem_shared>>) dst(%dma_wait3A_18 : memref<632x16xf32, #tpu.memory_space<hbm>>)
      tpu.yield
    }) : () -> ()
    "tpu.region"() ({
      %run_scoped3A = tpu.sem_alloc : memref<!tpu.dma_semaphore, #tpu.memory_space<semaphore_mem>>
      %dma_start3A = arith.constant 0 : i32
      %dma_start3A_13 = tpu.memref_slice %arg11[%arg0, %mul3A_2, %dma_start3A] : memref<2x10112x16xf32, #tpu.memory_space<hbm>> -> memref<1x632x16xf32, #tpu.memory_space<hbm>>
      %dma_start3A_14 = tpu.memref_squeeze %dma_start3A_13 : memref<1x632x16xf32, #tpu.memory_space<hbm>> -> memref<632x16xf32, #tpu.memory_space<hbm>>
      %dma_start3A_15 = arith.constant 0 : i32
      %dma_start3A_16 = tpu.memref_slice %arg21[%mul3A_2, %dma_start3A_15] : memref<10112x16xf32, #tpu.memory_space<vmem_shared>> -> memref<632x16xf32, #tpu.memory_space<vmem_shared>>
      tpu.enqueue_dma source(%dma_start3A_16 : memref<632x16xf32, #tpu.memory_space<vmem_shared>>) target(%dma_start3A_14 : memref<632x16xf32, #tpu.memory_space<hbm>>) target_semaphore(%run_scoped3A : memref<!tpu.dma_semaphore, #tpu.memory_space<semaphore_mem>>)
      %dma_wait3A = arith.constant 0 : i32
      %dma_wait3A_17 = tpu.memref_slice %arg11[%arg0, %mul3A_2, %dma_wait3A] : memref<2x10112x16xf32, #tpu.memory_space<hbm>> -> memref<1x632x16xf32, #tpu.memory_space<hbm>>
      %dma_wait3A_18 = tpu.memref_squeeze %dma_wait3A_17 : memref<1x632x16xf32, #tpu.memory_space<hbm>> -> memref<632x16xf32, #tpu.memory_space<hbm>>
      %dma_wait3A_19 = arith.constant 0 : i32
      %dma_wait3A_20 = tpu.memref_slice %arg21[%mul3A_2, %dma_wait3A_19] : memref<10112x16xf32, #tpu.memory_space<vmem_shared>> -> memref<632x16xf32, #tpu.memory_space<vmem_shared>>
      tpu.wait_dma2 semaphore(%run_scoped3A : memref<!tpu.dma_semaphore, #tpu.memory_space<semaphore_mem>>) src(%dma_wait3A_20 : memref<632x16xf32, #tpu.memory_space<vmem_shared>>) dst(%dma_wait3A_18 : memref<632x16xf32, #tpu.memory_space<hbm>>)
      tpu.yield
    }) : () -> ()
    return
  }
}

#map = affine_map<(d0, d1) -> (0)>
#map1 = affine_map<(d0, d1) -> (0, 0)>
#map2 = affine_map<(d0, d1) -> (0, 0, 0)>
module attributes {stable_mosaic.version = 14 : i64} {
  func.func @body(%arg0: i32, %arg1: i32, %arg2: memref<323584xi32, #tpu.memory_space<hbm>>, %arg3: memref<323584xi32, #tpu.memory_space<hbm>>, %arg4: memref<10000x64xf32, #tpu.memory_space<hbm>>, %arg5: memref<10000x64xf32, #tpu.memory_space<hbm>>, %arg6: memref<323584x64xf32, #tpu.memory_space<hbm>>, %arg7: memref<10000x64xf32, #tpu.memory_space<hbm>>, %arg8: memref<64xf32, #tpu.memory_space<hbm>>, %arg9: memref<10112x64xf32, #tpu.memory_space<hbm>>, %arg10: memref<2x10112x64xf32, #tpu.memory_space<hbm>>, %arg11: memref<2x10112x64xf32, #tpu.memory_space<hbm>>, %arg12: memref<128xi32, #tpu.memory_space<vmem>>, %arg13: memref<128xi32, #tpu.memory_space<vmem>>, %arg14: memref<128x64xf32, #tpu.memory_space<vmem>>, %arg15: memref<128x64xf32, #tpu.memory_space<vmem>>, %arg16: memref<128x64xf32, #tpu.memory_space<vmem>>, %arg17: memref<128x64xf32, #tpu.memory_space<vmem>>, %arg18: memref<128x64xf32, #tpu.memory_space<vmem>>, %arg19: memref<64xf32, #tpu.memory_space<vmem>>, %arg20: memref<10112x64xf32, #tpu.memory_space<vmem_shared>>, %arg21: memref<10112x64xf32, #tpu.memory_space<vmem_shared>>, %arg22: memref<!tpu.dma_semaphore, #tpu.memory_space<semaphore_mem>>) attributes {dimension_semantics = [#tpu.dimension_semantics<core_parallel>, #tpu.dimension_semantics<subcore_parallel>], iteration_bounds = array<i64: 2, 16>, scalar_prefetch = 0 : i64, scratch_operands = 11 : i64, tpu.core_type = #tpu.core_type<sc_vector_subcore>, window_params = [{transform_indices = #map}, {transform_indices = #map}, {transform_indices = #map1}, {transform_indices = #map1}, {transform_indices = #map1}, {transform_indices = #map1}, {transform_indices = #map}, {transform_indices = #map1}, {transform_indices = #map2}, {transform_indices = #map2}]} {
    %mul3A = arith.constant 16 : i32
    %mul3A_0 = arith.muli %arg0, %mul3A : i32
    %add3A = arith.addi %mul3A_0, %arg1 : i32
    %mul3A_1 = arith.constant 632 : i32
    %mul3A_2 = arith.muli %arg1, %mul3A_1 : i32
    "tpu.region"() ({
      %run_scoped3A = tpu.sem_alloc : memref<!tpu.dma_semaphore, #tpu.memory_space<semaphore_mem>>
      %dma_start3A = arith.constant 0 : i32
      %dma_start3A_22 = tpu.memref_slice %arg20[%mul3A_2, %dma_start3A] : memref<10112x64xf32, #tpu.memory_space<vmem_shared>> -> memref<632x64xf32, #tpu.memory_space<vmem_shared>>
      %dma_start3A_23 = arith.constant 0 : i32
      %dma_start3A_24 = tpu.memref_slice %arg9[%mul3A_2, %dma_start3A_23] : memref<10112x64xf32, #tpu.memory_space<hbm>> -> memref<632x64xf32, #tpu.memory_space<hbm>>
      tpu.enqueue_dma source(%dma_start3A_24 : memref<632x64xf32, #tpu.memory_space<hbm>>) target(%dma_start3A_22 : memref<632x64xf32, #tpu.memory_space<vmem_shared>>) target_semaphore(%run_scoped3A : memref<!tpu.dma_semaphore, #tpu.memory_space<semaphore_mem>>)
      %dma_wait3A = arith.constant 0 : i32
      %dma_wait3A_25 = tpu.memref_slice %arg20[%mul3A_2, %dma_wait3A] : memref<10112x64xf32, #tpu.memory_space<vmem_shared>> -> memref<632x64xf32, #tpu.memory_space<vmem_shared>>
      %dma_wait3A_26 = arith.constant 0 : i32
      %dma_wait3A_27 = tpu.memref_slice %arg9[%mul3A_2, %dma_wait3A_26] : memref<10112x64xf32, #tpu.memory_space<hbm>> -> memref<632x64xf32, #tpu.memory_space<hbm>>
      tpu.wait_dma2 semaphore(%run_scoped3A : memref<!tpu.dma_semaphore, #tpu.memory_space<semaphore_mem>>) src(%dma_wait3A_27 : memref<632x64xf32, #tpu.memory_space<hbm>>) dst(%dma_wait3A_25 : memref<632x64xf32, #tpu.memory_space<vmem_shared>>)
      tpu.yield
    }) : () -> ()
    "tpu.region"() ({
      %run_scoped3A = tpu.sem_alloc : memref<!tpu.dma_semaphore, #tpu.memory_space<semaphore_mem>>
      %dma_start3A = arith.constant 0 : i32
      %dma_start3A_22 = tpu.memref_slice %arg21[%mul3A_2, %dma_start3A] : memref<10112x64xf32, #tpu.memory_space<vmem_shared>> -> memref<632x64xf32, #tpu.memory_space<vmem_shared>>
      %dma_start3A_23 = arith.constant 0 : i32
      %dma_start3A_24 = tpu.memref_slice %arg9[%mul3A_2, %dma_start3A_23] : memref<10112x64xf32, #tpu.memory_space<hbm>> -> memref<632x64xf32, #tpu.memory_space<hbm>>
      tpu.enqueue_dma source(%dma_start3A_24 : memref<632x64xf32, #tpu.memory_space<hbm>>) target(%dma_start3A_22 : memref<632x64xf32, #tpu.memory_space<vmem_shared>>) target_semaphore(%run_scoped3A : memref<!tpu.dma_semaphore, #tpu.memory_space<semaphore_mem>>)
      %dma_wait3A = arith.constant 0 : i32
      %dma_wait3A_25 = tpu.memref_slice %arg21[%mul3A_2, %dma_wait3A] : memref<10112x64xf32, #tpu.memory_space<vmem_shared>> -> memref<632x64xf32, #tpu.memory_space<vmem_shared>>
      %dma_wait3A_26 = arith.constant 0 : i32
      %dma_wait3A_27 = tpu.memref_slice %arg9[%mul3A_2, %dma_wait3A_26] : memref<10112x64xf32, #tpu.memory_space<hbm>> -> memref<632x64xf32, #tpu.memory_space<hbm>>
      tpu.wait_dma2 semaphore(%run_scoped3A : memref<!tpu.dma_semaphore, #tpu.memory_space<semaphore_mem>>) src(%dma_wait3A_27 : memref<632x64xf32, #tpu.memory_space<hbm>>) dst(%dma_wait3A_25 : memref<632x64xf32, #tpu.memory_space<vmem_shared>>)
      tpu.yield
    }) : () -> ()
    "tpu.region"() ({
      %run_scoped3A = tpu.sem_alloc : memref<!tpu.dma_semaphore, #tpu.memory_space<semaphore_mem>>
      tpu.enqueue_dma source(%arg8 : memref<64xf32, #tpu.memory_space<hbm>>) target(%arg19 : memref<64xf32, #tpu.memory_space<vmem>>) target_semaphore(%run_scoped3A : memref<!tpu.dma_semaphore, #tpu.memory_space<semaphore_mem>>)
      tpu.wait_dma2 semaphore(%run_scoped3A : memref<!tpu.dma_semaphore, #tpu.memory_space<semaphore_mem>>) src(%arg8 : memref<64xf32, #tpu.memory_space<hbm>>) dst(%arg19 : memref<64xf32, #tpu.memory_space<vmem>>)
      tpu.yield
    }) : () -> ()
    %barrier3A = arith.constant 0 : index
    tpu.barrier barrier_id(%barrier3A)
    %mul3A_3 = arith.constant 10112 : i32
    %mul3A_4 = arith.muli %add3A, %mul3A_3 : i32
    %get3A = arith.constant 0 : index
    %get3A_5 = tpu.vector_load %arg19[%get3A] {strides = array<i32>} : memref<64xf32, #tpu.memory_space<vmem>>, vector<16xf32>,
    %get3A_6 = vector.shape_cast %get3A_5 : vector<16xf32> to vector<16xf32>
    %get3A_7 = arith.constant 16 : index
    %get3A_8 = tpu.vector_load %arg19[%get3A_7] {strides = array<i32>} : memref<64xf32, #tpu.memory_space<vmem>>, vector<16xf32>,
    %get3A_9 = vector.shape_cast %get3A_8 : vector<16xf32> to vector<16xf32>
    %get3A_10 = arith.constant 32 : index
    %get3A_11 = tpu.vector_load %arg19[%get3A_10] {strides = array<i32>} : memref<64xf32, #tpu.memory_space<vmem>>, vector<16xf32>,
    %get3A_12 = vector.shape_cast %get3A_11 : vector<16xf32> to vector<16xf32>
    %get3A_13 = arith.constant 48 : index
    %get3A_14 = tpu.vector_load %arg19[%get3A_13] {strides = array<i32>} : memref<64xf32, #tpu.memory_space<vmem>>, vector<16xf32>,
    %get3A_15 = vector.shape_cast %get3A_14 : vector<16xf32> to vector<16xf32>
    %scan3A = arith.constant 0 : i32
    %scan3A_16 = arith.constant 0 : i32
    %scan3A_17 = arith.constant 79 : i32
    %scan3A_18 = arith.addi %scan3A_16, %scan3A_17 : i32
    %scan3A_19 = arith.constant 1 : i32
    scf.for %scan3A_22 = %scan3A_16 to %scan3A_18 step %scan3A_19  : i32 {
      %mul3A_23 = arith.constant 128 : i32
      %mul3A_24 = arith.muli %scan3A_22, %mul3A_23 : i32
      %add3A_25 = arith.addi %mul3A_4, %mul3A_24 : i32
      "tpu.region"() ({
        %run_scoped3A = tpu.sem_alloc : memref<!tpu.dma_semaphore, #tpu.memory_space<semaphore_mem>>
        %dma_start3A_56 = tpu.memref_slice %arg2[%add3A_25] : memref<323584xi32, #tpu.memory_space<hbm>> -> memref<128xi32, #tpu.memory_space<hbm>>
        %dma_start3A_57 = tpu.memref_slice %arg2[%add3A_25] : memref<323584xi32, #tpu.memory_space<hbm>> -> memref<128xi32, #tpu.memory_space<hbm>>
        tpu.enqueue_dma source(%dma_start3A_57 : memref<128xi32, #tpu.memory_space<hbm>>) target(%arg12 : memref<128xi32, #tpu.memory_space<vmem>>) target_semaphore(%run_scoped3A : memref<!tpu.dma_semaphore, #tpu.memory_space<semaphore_mem>>)
        %dma_wait3A_58 = tpu.memref_slice %arg2[%add3A_25] : memref<323584xi32, #tpu.memory_space<hbm>> -> memref<128xi32, #tpu.memory_space<hbm>>
        %dma_wait3A_59 = tpu.memref_slice %arg2[%add3A_25] : memref<323584xi32, #tpu.memory_space<hbm>> -> memref<128xi32, #tpu.memory_space<hbm>>
        tpu.wait_dma2 semaphore(%run_scoped3A : memref<!tpu.dma_semaphore, #tpu.memory_space<semaphore_mem>>) src(%dma_wait3A_59 : memref<128xi32, #tpu.memory_space<hbm>>) dst(%arg12 : memref<128xi32, #tpu.memory_space<vmem>>)
        tpu.yield
      }) : () -> ()
      "tpu.region"() ({
        %run_scoped3A = tpu.sem_alloc : memref<!tpu.dma_semaphore, #tpu.memory_space<semaphore_mem>>
        %dma_start3A_56 = tpu.memref_slice %arg3[%add3A_25] : memref<323584xi32, #tpu.memory_space<hbm>> -> memref<128xi32, #tpu.memory_space<hbm>>
        %dma_start3A_57 = tpu.memref_slice %arg3[%add3A_25] : memref<323584xi32, #tpu.memory_space<hbm>> -> memref<128xi32, #tpu.memory_space<hbm>>
        tpu.enqueue_dma source(%dma_start3A_57 : memref<128xi32, #tpu.memory_space<hbm>>) target(%arg13 : memref<128xi32, #tpu.memory_space<vmem>>) target_semaphore(%run_scoped3A : memref<!tpu.dma_semaphore, #tpu.memory_space<semaphore_mem>>)
        %dma_wait3A_58 = tpu.memref_slice %arg3[%add3A_25] : memref<323584xi32, #tpu.memory_space<hbm>> -> memref<128xi32, #tpu.memory_space<hbm>>
        %dma_wait3A_59 = tpu.memref_slice %arg3[%add3A_25] : memref<323584xi32, #tpu.memory_space<hbm>> -> memref<128xi32, #tpu.memory_space<hbm>>
        tpu.wait_dma2 semaphore(%run_scoped3A : memref<!tpu.dma_semaphore, #tpu.memory_space<semaphore_mem>>) src(%dma_wait3A_59 : memref<128xi32, #tpu.memory_space<hbm>>) dst(%arg13 : memref<128xi32, #tpu.memory_space<vmem>>)
        tpu.yield
      }) : () -> ()
      %dma_start3A = arith.constant 0 : i32
      %dma_start3A_26 = arith.constant 0 : i32
      %dma_start3A_27 = tpu.memref_slice %arg5[%dma_start3A, %dma_start3A_26] : memref<10000x64xf32, #tpu.memory_space<hbm>> -> memref<10000x64xf32, #tpu.memory_space<hbm>>
      tpu.enqueue_indirect_dma source(%dma_start3A_27 : memref<10000x64xf32, #tpu.memory_space<hbm>>) target(%arg14 : memref<128x64xf32, #tpu.memory_space<vmem>>) offsets(%arg12 : memref<128xi32, #tpu.memory_space<vmem>>) semaphore(%arg22 : memref<!tpu.dma_semaphore, #tpu.memory_space<semaphore_mem>>)
      %dma_start3A_28 = arith.constant 0 : i32
      %dma_start3A_29 = arith.constant 0 : i32
      %dma_start3A_30 = tpu.memref_slice %arg4[%dma_start3A_28, %dma_start3A_29] : memref<10000x64xf32, #tpu.memory_space<hbm>> -> memref<10000x64xf32, #tpu.memory_space<hbm>>
      tpu.enqueue_indirect_dma source(%dma_start3A_30 : memref<10000x64xf32, #tpu.memory_space<hbm>>) target(%arg15 : memref<128x64xf32, #tpu.memory_space<vmem>>) offsets(%arg13 : memref<128xi32, #tpu.memory_space<vmem>>) semaphore(%arg22 : memref<!tpu.dma_semaphore, #tpu.memory_space<semaphore_mem>>)
      %dma_start3A_31 = arith.constant 0 : i32
      %dma_start3A_32 = arith.constant 0 : i32
      %dma_start3A_33 = tpu.memref_slice %arg7[%dma_start3A_31, %dma_start3A_32] : memref<10000x64xf32, #tpu.memory_space<hbm>> -> memref<10000x64xf32, #tpu.memory_space<hbm>>
      tpu.enqueue_indirect_dma source(%dma_start3A_33 : memref<10000x64xf32, #tpu.memory_space<hbm>>) target(%arg18 : memref<128x64xf32, #tpu.memory_space<vmem>>) offsets(%arg12 : memref<128xi32, #tpu.memory_space<vmem>>) semaphore(%arg22 : memref<!tpu.dma_semaphore, #tpu.memory_space<semaphore_mem>>)
      %dma_start3A_34 = arith.constant 0 : i32
      %dma_start3A_35 = tpu.memref_slice %arg6[%add3A_25, %dma_start3A_34] : memref<323584x64xf32, #tpu.memory_space<hbm>> -> memref<128x64xf32, #tpu.memory_space<hbm>>
      %dma_start3A_36 = arith.constant 0 : i32
      %dma_start3A_37 = tpu.memref_slice %arg6[%add3A_25, %dma_start3A_36] : memref<323584x64xf32, #tpu.memory_space<hbm>> -> memref<128x64xf32, #tpu.memory_space<hbm>>
      tpu.enqueue_dma source(%dma_start3A_37 : memref<128x64xf32, #tpu.memory_space<hbm>>) target(%arg16 : memref<128x64xf32, #tpu.memory_space<vmem>>) target_semaphore(%arg22 : memref<!tpu.dma_semaphore, #tpu.memory_space<semaphore_mem>>)
      %dma_wait3A = arith.constant 0 : i32
      %dma_wait3A_38 = arith.constant 0 : i32
      %dma_wait3A_39 = tpu.memref_slice %arg5[%dma_wait3A, %dma_wait3A_38] : memref<10000x64xf32, #tpu.memory_space<hbm>> -> memref<10000x64xf32, #tpu.memory_space<hbm>>
      tpu.wait_indirect_dma semaphore(%arg22 : memref<!tpu.dma_semaphore, #tpu.memory_space<semaphore_mem>>) src(%dma_wait3A_39 : memref<10000x64xf32, #tpu.memory_space<hbm>>) dst(%arg14 : memref<128x64xf32, #tpu.memory_space<vmem>>)
      %dma_wait3A_40 = arith.constant 0 : i32
      %dma_wait3A_41 = arith.constant 0 : i32
      %dma_wait3A_42 = tpu.memref_slice %arg4[%dma_wait3A_40, %dma_wait3A_41] : memref<10000x64xf32, #tpu.memory_space<hbm>> -> memref<10000x64xf32, #tpu.memory_space<hbm>>
      tpu.wait_indirect_dma semaphore(%arg22 : memref<!tpu.dma_semaphore, #tpu.memory_space<semaphore_mem>>) src(%dma_wait3A_42 : memref<10000x64xf32, #tpu.memory_space<hbm>>) dst(%arg15 : memref<128x64xf32, #tpu.memory_space<vmem>>)
      %dma_wait3A_43 = arith.constant 0 : i32
      %dma_wait3A_44 = arith.constant 0 : i32
      %dma_wait3A_45 = tpu.memref_slice %arg7[%dma_wait3A_43, %dma_wait3A_44] : memref<10000x64xf32, #tpu.memory_space<hbm>> -> memref<10000x64xf32, #tpu.memory_space<hbm>>
      tpu.wait_indirect_dma semaphore(%arg22 : memref<!tpu.dma_semaphore, #tpu.memory_space<semaphore_mem>>) src(%dma_wait3A_45 : memref<10000x64xf32, #tpu.memory_space<hbm>>) dst(%arg18 : memref<128x64xf32, #tpu.memory_space<vmem>>)
      %dma_wait3A_46 = arith.constant 0 : i32
      %dma_wait3A_47 = tpu.memref_slice %arg6[%add3A_25, %dma_wait3A_46] : memref<323584x64xf32, #tpu.memory_space<hbm>> -> memref<128x64xf32, #tpu.memory_space<hbm>>
      %dma_wait3A_48 = arith.constant 0 : i32
      %dma_wait3A_49 = tpu.memref_slice %arg6[%add3A_25, %dma_wait3A_48] : memref<323584x64xf32, #tpu.memory_space<hbm>> -> memref<128x64xf32, #tpu.memory_space<hbm>>
      tpu.wait_dma2 semaphore(%arg22 : memref<!tpu.dma_semaphore, #tpu.memory_space<semaphore_mem>>) src(%dma_wait3A_49 : memref<128x64xf32, #tpu.memory_space<hbm>>) dst(%arg16 : memref<128x64xf32, #tpu.memory_space<vmem>>)
      %scan3A_50 = arith.constant 0 : i32
      %scan3A_51 = arith.constant 0 : i32
      %scan3A_52 = arith.constant 128 : i32
      %scan3A_53 = arith.addi %scan3A_51, %scan3A_52 : i32
      %scan3A_54 = arith.constant 1 : i32
      scf.for %scan3A_56 = %scan3A_51 to %scan3A_53 step %scan3A_54  : i32 {
        %get3A_57 = arith.index_cast %scan3A_56 : i32 to index
        %get3A_58 = arith.constant 0 : index
        %get3A_59 = tpu.vector_load %arg14[%get3A_57, %get3A_58] {strides = array<i32>} : memref<128x64xf32, #tpu.memory_space<vmem>>, vector<1x16xf32>,
        %get3A_60 = vector.shape_cast %get3A_59 : vector<1x16xf32> to vector<16xf32>
        %get3A_61 = arith.index_cast %scan3A_56 : i32 to index
        %get3A_62 = arith.constant 0 : index
        %get3A_63 = tpu.vector_load %arg15[%get3A_61, %get3A_62] {strides = array<i32>} : memref<128x64xf32, #tpu.memory_space<vmem>>, vector<1x16xf32>,
        %get3A_64 = vector.shape_cast %get3A_63 : vector<1x16xf32> to vector<16xf32>
        %add3A_65 = arith.addf %get3A_60, %get3A_64 : vector<16xf32>
        %get3A_66 = arith.index_cast %scan3A_56 : i32 to index
        %get3A_67 = arith.constant 0 : index
        %get3A_68 = tpu.vector_load %arg16[%get3A_66, %get3A_67] {strides = array<i32>} : memref<128x64xf32, #tpu.memory_space<vmem>>, vector<1x16xf32>,
        %get3A_69 = vector.shape_cast %get3A_68 : vector<1x16xf32> to vector<16xf32>
        %add3A_70 = arith.addf %add3A_65, %get3A_69 : vector<16xf32>
        %mul3A_71 = arith.constant 2.000000e-01 : f32
        %mul3A_72 = vector.broadcast %mul3A_71 : f32 to vector<16xf32>
        %mul3A_73 = arith.mulf %mul3A_72, %add3A_70 : vector<16xf32>
        %max3A = arith.maximumf %add3A_70, %mul3A_73 : vector<16xf32>
        %sub3A = arith.subf %max3A, %get3A_6 : vector<16xf32>
        %exp3A = math.exp %sub3A : vector<16xf32>
        %swap3A = arith.index_cast %scan3A_56 : i32 to index
        %swap3A_74 = arith.constant 0 : index
        %swap3A_75 = tpu.vector_load %arg17[%swap3A, %swap3A_74] {strides = array<i32>} : memref<128x64xf32, #tpu.memory_space<vmem>>, vector<1x16xf32>,
        %swap3A_76 = vector.shape_cast %swap3A_75 : vector<1x16xf32> to vector<16xf32>
        %swap3A_77 = vector.shape_cast %exp3A : vector<16xf32> to vector<1x16xf32>
        tpu.vector_store %arg17[%swap3A, %swap3A_74], %swap3A_77 {strides = array<i32>} : memref<128x64xf32, #tpu.memory_space<vmem>>, vector<1x16xf32>,
        %get3A_78 = arith.index_cast %scan3A_56 : i32 to index
        %get3A_79 = arith.constant 0 : index
        %get3A_80 = tpu.vector_load %arg18[%get3A_78, %get3A_79] {strides = array<i32>} : memref<128x64xf32, #tpu.memory_space<vmem>>, vector<1x16xf32>,
        %get3A_81 = vector.shape_cast %get3A_80 : vector<1x16xf32> to vector<16xf32>
        %mul3A_82 = arith.mulf %get3A_81, %exp3A : vector<16xf32>
        %swap3A_83 = arith.index_cast %scan3A_56 : i32 to index
        %swap3A_84 = arith.constant 0 : index
        %swap3A_85 = tpu.vector_load %arg18[%swap3A_83, %swap3A_84] {strides = array<i32>} : memref<128x64xf32, #tpu.memory_space<vmem>>, vector<1x16xf32>,
        %swap3A_86 = vector.shape_cast %swap3A_85 : vector<1x16xf32> to vector<16xf32>
        %swap3A_87 = vector.shape_cast %mul3A_82 : vector<16xf32> to vector<1x16xf32>
        tpu.vector_store %arg18[%swap3A_83, %swap3A_84], %swap3A_87 {strides = array<i32>} : memref<128x64xf32, #tpu.memory_space<vmem>>, vector<1x16xf32>,
        %get3A_88 = arith.index_cast %scan3A_56 : i32 to index
        %get3A_89 = arith.constant 16 : index
        %get3A_90 = tpu.vector_load %arg14[%get3A_88, %get3A_89] {strides = array<i32>} : memref<128x64xf32, #tpu.memory_space<vmem>>, vector<1x16xf32>,
        %get3A_91 = vector.shape_cast %get3A_90 : vector<1x16xf32> to vector<16xf32>
        %get3A_92 = arith.index_cast %scan3A_56 : i32 to index
        %get3A_93 = arith.constant 16 : index
        %get3A_94 = tpu.vector_load %arg15[%get3A_92, %get3A_93] {strides = array<i32>} : memref<128x64xf32, #tpu.memory_space<vmem>>, vector<1x16xf32>,
        %get3A_95 = vector.shape_cast %get3A_94 : vector<1x16xf32> to vector<16xf32>
        %add3A_96 = arith.addf %get3A_91, %get3A_95 : vector<16xf32>
        %get3A_97 = arith.index_cast %scan3A_56 : i32 to index
        %get3A_98 = arith.constant 16 : index
        %get3A_99 = tpu.vector_load %arg16[%get3A_97, %get3A_98] {strides = array<i32>} : memref<128x64xf32, #tpu.memory_space<vmem>>, vector<1x16xf32>,
        %get3A_100 = vector.shape_cast %get3A_99 : vector<1x16xf32> to vector<16xf32>
        %add3A_101 = arith.addf %add3A_96, %get3A_100 : vector<16xf32>
        %mul3A_102 = arith.constant 2.000000e-01 : f32
        %mul3A_103 = vector.broadcast %mul3A_102 : f32 to vector<16xf32>
        %mul3A_104 = arith.mulf %mul3A_103, %add3A_101 : vector<16xf32>
        %max3A_105 = arith.maximumf %add3A_101, %mul3A_104 : vector<16xf32>
        %sub3A_106 = arith.subf %max3A_105, %get3A_9 : vector<16xf32>
        %exp3A_107 = math.exp %sub3A_106 : vector<16xf32>
        %swap3A_108 = arith.index_cast %scan3A_56 : i32 to index
        %swap3A_109 = arith.constant 16 : index
        %swap3A_110 = tpu.vector_load %arg17[%swap3A_108, %swap3A_109] {strides = array<i32>} : memref<128x64xf32, #tpu.memory_space<vmem>>, vector<1x16xf32>,
        %swap3A_111 = vector.shape_cast %swap3A_110 : vector<1x16xf32> to vector<16xf32>
        %swap3A_112 = vector.shape_cast %exp3A_107 : vector<16xf32> to vector<1x16xf32>
        tpu.vector_store %arg17[%swap3A_108, %swap3A_109], %swap3A_112 {strides = array<i32>} : memref<128x64xf32, #tpu.memory_space<vmem>>, vector<1x16xf32>,
        %get3A_113 = arith.index_cast %scan3A_56 : i32 to index
        %get3A_114 = arith.constant 16 : index
        %get3A_115 = tpu.vector_load %arg18[%get3A_113, %get3A_114] {strides = array<i32>} : memref<128x64xf32, #tpu.memory_space<vmem>>, vector<1x16xf32>,
        %get3A_116 = vector.shape_cast %get3A_115 : vector<1x16xf32> to vector<16xf32>
        %mul3A_117 = arith.mulf %get3A_116, %exp3A_107 : vector<16xf32>
        %swap3A_118 = arith.index_cast %scan3A_56 : i32 to index
        %swap3A_119 = arith.constant 16 : index
        %swap3A_120 = tpu.vector_load %arg18[%swap3A_118, %swap3A_119] {strides = array<i32>} : memref<128x64xf32, #tpu.memory_space<vmem>>, vector<1x16xf32>,
        %swap3A_121 = vector.shape_cast %swap3A_120 : vector<1x16xf32> to vector<16xf32>
        %swap3A_122 = vector.shape_cast %mul3A_117 : vector<16xf32> to vector<1x16xf32>
        tpu.vector_store %arg18[%swap3A_118, %swap3A_119], %swap3A_122 {strides = array<i32>} : memref<128x64xf32, #tpu.memory_space<vmem>>, vector<1x16xf32>,
        %get3A_123 = arith.index_cast %scan3A_56 : i32 to index
        %get3A_124 = arith.constant 32 : index
        %get3A_125 = tpu.vector_load %arg14[%get3A_123, %get3A_124] {strides = array<i32>} : memref<128x64xf32, #tpu.memory_space<vmem>>, vector<1x16xf32>,
        %get3A_126 = vector.shape_cast %get3A_125 : vector<1x16xf32> to vector<16xf32>
        %get3A_127 = arith.index_cast %scan3A_56 : i32 to index
        %get3A_128 = arith.constant 32 : index
        %get3A_129 = tpu.vector_load %arg15[%get3A_127, %get3A_128] {strides = array<i32>} : memref<128x64xf32, #tpu.memory_space<vmem>>, vector<1x16xf32>,
        %get3A_130 = vector.shape_cast %get3A_129 : vector<1x16xf32> to vector<16xf32>
        %add3A_131 = arith.addf %get3A_126, %get3A_130 : vector<16xf32>
        %get3A_132 = arith.index_cast %scan3A_56 : i32 to index
        %get3A_133 = arith.constant 32 : index
        %get3A_134 = tpu.vector_load %arg16[%get3A_132, %get3A_133] {strides = array<i32>} : memref<128x64xf32, #tpu.memory_space<vmem>>, vector<1x16xf32>,
        %get3A_135 = vector.shape_cast %get3A_134 : vector<1x16xf32> to vector<16xf32>
        %add3A_136 = arith.addf %add3A_131, %get3A_135 : vector<16xf32>
        %mul3A_137 = arith.constant 2.000000e-01 : f32
        %mul3A_138 = vector.broadcast %mul3A_137 : f32 to vector<16xf32>
        %mul3A_139 = arith.mulf %mul3A_138, %add3A_136 : vector<16xf32>
        %max3A_140 = arith.maximumf %add3A_136, %mul3A_139 : vector<16xf32>
        %sub3A_141 = arith.subf %max3A_140, %get3A_12 : vector<16xf32>
        %exp3A_142 = math.exp %sub3A_141 : vector<16xf32>
        %swap3A_143 = arith.index_cast %scan3A_56 : i32 to index
        %swap3A_144 = arith.constant 32 : index
        %swap3A_145 = tpu.vector_load %arg17[%swap3A_143, %swap3A_144] {strides = array<i32>} : memref<128x64xf32, #tpu.memory_space<vmem>>, vector<1x16xf32>,
        %swap3A_146 = vector.shape_cast %swap3A_145 : vector<1x16xf32> to vector<16xf32>
        %swap3A_147 = vector.shape_cast %exp3A_142 : vector<16xf32> to vector<1x16xf32>
        tpu.vector_store %arg17[%swap3A_143, %swap3A_144], %swap3A_147 {strides = array<i32>} : memref<128x64xf32, #tpu.memory_space<vmem>>, vector<1x16xf32>,
        %get3A_148 = arith.index_cast %scan3A_56 : i32 to index
        %get3A_149 = arith.constant 32 : index
        %get3A_150 = tpu.vector_load %arg18[%get3A_148, %get3A_149] {strides = array<i32>} : memref<128x64xf32, #tpu.memory_space<vmem>>, vector<1x16xf32>,
        %get3A_151 = vector.shape_cast %get3A_150 : vector<1x16xf32> to vector<16xf32>
        %mul3A_152 = arith.mulf %get3A_151, %exp3A_142 : vector<16xf32>
        %swap3A_153 = arith.index_cast %scan3A_56 : i32 to index
        %swap3A_154 = arith.constant 32 : index
        %swap3A_155 = tpu.vector_load %arg18[%swap3A_153, %swap3A_154] {strides = array<i32>} : memref<128x64xf32, #tpu.memory_space<vmem>>, vector<1x16xf32>,
        %swap3A_156 = vector.shape_cast %swap3A_155 : vector<1x16xf32> to vector<16xf32>
        %swap3A_157 = vector.shape_cast %mul3A_152 : vector<16xf32> to vector<1x16xf32>
        tpu.vector_store %arg18[%swap3A_153, %swap3A_154], %swap3A_157 {strides = array<i32>} : memref<128x64xf32, #tpu.memory_space<vmem>>, vector<1x16xf32>,
        %get3A_158 = arith.index_cast %scan3A_56 : i32 to index
        %get3A_159 = arith.constant 48 : index
        %get3A_160 = tpu.vector_load %arg14[%get3A_158, %get3A_159] {strides = array<i32>} : memref<128x64xf32, #tpu.memory_space<vmem>>, vector<1x16xf32>,
        %get3A_161 = vector.shape_cast %get3A_160 : vector<1x16xf32> to vector<16xf32>
        %get3A_162 = arith.index_cast %scan3A_56 : i32 to index
        %get3A_163 = arith.constant 48 : index
        %get3A_164 = tpu.vector_load %arg15[%get3A_162, %get3A_163] {strides = array<i32>} : memref<128x64xf32, #tpu.memory_space<vmem>>, vector<1x16xf32>,
        %get3A_165 = vector.shape_cast %get3A_164 : vector<1x16xf32> to vector<16xf32>
        %add3A_166 = arith.addf %get3A_161, %get3A_165 : vector<16xf32>
        %get3A_167 = arith.index_cast %scan3A_56 : i32 to index
        %get3A_168 = arith.constant 48 : index
        %get3A_169 = tpu.vector_load %arg16[%get3A_167, %get3A_168] {strides = array<i32>} : memref<128x64xf32, #tpu.memory_space<vmem>>, vector<1x16xf32>,
        %get3A_170 = vector.shape_cast %get3A_169 : vector<1x16xf32> to vector<16xf32>
        %add3A_171 = arith.addf %add3A_166, %get3A_170 : vector<16xf32>
        %mul3A_172 = arith.constant 2.000000e-01 : f32
        %mul3A_173 = vector.broadcast %mul3A_172 : f32 to vector<16xf32>
        %mul3A_174 = arith.mulf %mul3A_173, %add3A_171 : vector<16xf32>
        %max3A_175 = arith.maximumf %add3A_171, %mul3A_174 : vector<16xf32>
        %sub3A_176 = arith.subf %max3A_175, %get3A_15 : vector<16xf32>
        %exp3A_177 = math.exp %sub3A_176 : vector<16xf32>
        %swap3A_178 = arith.index_cast %scan3A_56 : i32 to index
        %swap3A_179 = arith.constant 48 : index
        %swap3A_180 = tpu.vector_load %arg17[%swap3A_178, %swap3A_179] {strides = array<i32>} : memref<128x64xf32, #tpu.memory_space<vmem>>, vector<1x16xf32>,
        %swap3A_181 = vector.shape_cast %swap3A_180 : vector<1x16xf32> to vector<16xf32>
        %swap3A_182 = vector.shape_cast %exp3A_177 : vector<16xf32> to vector<1x16xf32>
        tpu.vector_store %arg17[%swap3A_178, %swap3A_179], %swap3A_182 {strides = array<i32>} : memref<128x64xf32, #tpu.memory_space<vmem>>, vector<1x16xf32>,
        %get3A_183 = arith.index_cast %scan3A_56 : i32 to index
        %get3A_184 = arith.constant 48 : index
        %get3A_185 = tpu.vector_load %arg18[%get3A_183, %get3A_184] {strides = array<i32>} : memref<128x64xf32, #tpu.memory_space<vmem>>, vector<1x16xf32>,
        %get3A_186 = vector.shape_cast %get3A_185 : vector<1x16xf32> to vector<16xf32>
        %mul3A_187 = arith.mulf %get3A_186, %exp3A_177 : vector<16xf32>
        %swap3A_188 = arith.index_cast %scan3A_56 : i32 to index
        %swap3A_189 = arith.constant 48 : index
        %swap3A_190 = tpu.vector_load %arg18[%swap3A_188, %swap3A_189] {strides = array<i32>} : memref<128x64xf32, #tpu.memory_space<vmem>>, vector<1x16xf32>,
        %swap3A_191 = vector.shape_cast %swap3A_190 : vector<1x16xf32> to vector<16xf32>
        %swap3A_192 = vector.shape_cast %mul3A_187 : vector<16xf32> to vector<1x16xf32>
        tpu.vector_store %arg18[%swap3A_188, %swap3A_189], %swap3A_192 {strides = array<i32>} : memref<128x64xf32, #tpu.memory_space<vmem>>, vector<1x16xf32>,
      }
      %scan3A_55 = arith.constant 128 : i32
      "tpu.region"() ({
        %run_scoped3A = tpu.sem_alloc : memref<!tpu.dma_semaphore, #tpu.memory_space<semaphore_mem>>
        %dma_start3A_56 = arith.constant 0 : i32
        %dma_start3A_57 = arith.constant 0 : i32
        %dma_start3A_58 = tpu.memref_slice %arg21[%dma_start3A_56, %dma_start3A_57] : memref<10112x64xf32, #tpu.memory_space<vmem_shared>> -> memref<10112x64xf32, #tpu.memory_space<vmem_shared>>
        tpu.enqueue_indirect_dma source(%arg17 : memref<128x64xf32, #tpu.memory_space<vmem>>) target(%dma_start3A_58 : memref<10112x64xf32, #tpu.memory_space<vmem_shared>>) offsets(%arg13 : memref<128xi32, #tpu.memory_space<vmem>>) semaphore(%run_scoped3A : memref<!tpu.dma_semaphore, #tpu.memory_space<semaphore_mem>>) {add = true}
        %dma_wait3A_59 = arith.constant 0 : i32
        %dma_wait3A_60 = arith.constant 0 : i32
        %dma_wait3A_61 = tpu.memref_slice %arg21[%dma_wait3A_59, %dma_wait3A_60] : memref<10112x64xf32, #tpu.memory_space<vmem_shared>> -> memref<10112x64xf32, #tpu.memory_space<vmem_shared>>
        tpu.wait_indirect_dma semaphore(%run_scoped3A : memref<!tpu.dma_semaphore, #tpu.memory_space<semaphore_mem>>) src(%arg17 : memref<128x64xf32, #tpu.memory_space<vmem>>) dst(%dma_wait3A_61 : memref<10112x64xf32, #tpu.memory_space<vmem_shared>>)
        tpu.yield
      }) : () -> ()
      "tpu.region"() ({
        %run_scoped3A = tpu.sem_alloc : memref<!tpu.dma_semaphore, #tpu.memory_space<semaphore_mem>>
        %dma_start3A_56 = arith.constant 0 : i32
        %dma_start3A_57 = arith.constant 0 : i32
        %dma_start3A_58 = tpu.memref_slice %arg20[%dma_start3A_56, %dma_start3A_57] : memref<10112x64xf32, #tpu.memory_space<vmem_shared>> -> memref<10112x64xf32, #tpu.memory_space<vmem_shared>>
        tpu.enqueue_indirect_dma source(%arg18 : memref<128x64xf32, #tpu.memory_space<vmem>>) target(%dma_start3A_58 : memref<10112x64xf32, #tpu.memory_space<vmem_shared>>) offsets(%arg13 : memref<128xi32, #tpu.memory_space<vmem>>) semaphore(%run_scoped3A : memref<!tpu.dma_semaphore, #tpu.memory_space<semaphore_mem>>) {add = true}
        %dma_wait3A_59 = arith.constant 0 : i32
        %dma_wait3A_60 = arith.constant 0 : i32
        %dma_wait3A_61 = tpu.memref_slice %arg20[%dma_wait3A_59, %dma_wait3A_60] : memref<10112x64xf32, #tpu.memory_space<vmem_shared>> -> memref<10112x64xf32, #tpu.memory_space<vmem_shared>>
        tpu.wait_indirect_dma semaphore(%run_scoped3A : memref<!tpu.dma_semaphore, #tpu.memory_space<semaphore_mem>>) src(%arg18 : memref<128x64xf32, #tpu.memory_space<vmem>>) dst(%dma_wait3A_61 : memref<10112x64xf32, #tpu.memory_space<vmem_shared>>)
        tpu.yield
      }) : () -> ()
    }
    %scan3A_20 = arith.constant 79 : i32
    %barrier3A_21 = arith.constant 0 : index
    tpu.barrier barrier_id(%barrier3A_21)
    "tpu.region"() ({
      %run_scoped3A = tpu.sem_alloc : memref<!tpu.dma_semaphore, #tpu.memory_space<semaphore_mem>>
      %dma_start3A = arith.constant 0 : i32
      %dma_start3A_22 = tpu.memref_slice %arg10[%arg0, %mul3A_2, %dma_start3A] : memref<2x10112x64xf32, #tpu.memory_space<hbm>> -> memref<1x632x64xf32, #tpu.memory_space<hbm>>
      %dma_start3A_23 = tpu.memref_squeeze %dma_start3A_22 : memref<1x632x64xf32, #tpu.memory_space<hbm>> -> memref<632x64xf32, #tpu.memory_space<hbm>>
      %dma_start3A_24 = arith.constant 0 : i32
      %dma_start3A_25 = tpu.memref_slice %arg20[%mul3A_2, %dma_start3A_24] : memref<10112x64xf32, #tpu.memory_space<vmem_shared>> -> memref<632x64xf32, #tpu.memory_space<vmem_shared>>
      tpu.enqueue_dma source(%dma_start3A_25 : memref<632x64xf32, #tpu.memory_space<vmem_shared>>) target(%dma_start3A_23 : memref<632x64xf32, #tpu.memory_space<hbm>>) target_semaphore(%run_scoped3A : memref<!tpu.dma_semaphore, #tpu.memory_space<semaphore_mem>>)
      %dma_wait3A = arith.constant 0 : i32
      %dma_wait3A_26 = tpu.memref_slice %arg10[%arg0, %mul3A_2, %dma_wait3A] : memref<2x10112x64xf32, #tpu.memory_space<hbm>> -> memref<1x632x64xf32, #tpu.memory_space<hbm>>
      %dma_wait3A_27 = tpu.memref_squeeze %dma_wait3A_26 : memref<1x632x64xf32, #tpu.memory_space<hbm>> -> memref<632x64xf32, #tpu.memory_space<hbm>>
      %dma_wait3A_28 = arith.constant 0 : i32
      %dma_wait3A_29 = tpu.memref_slice %arg20[%mul3A_2, %dma_wait3A_28] : memref<10112x64xf32, #tpu.memory_space<vmem_shared>> -> memref<632x64xf32, #tpu.memory_space<vmem_shared>>
      tpu.wait_dma2 semaphore(%run_scoped3A : memref<!tpu.dma_semaphore, #tpu.memory_space<semaphore_mem>>) src(%dma_wait3A_29 : memref<632x64xf32, #tpu.memory_space<vmem_shared>>) dst(%dma_wait3A_27 : memref<632x64xf32, #tpu.memory_space<hbm>>)
      tpu.yield
    }) : () -> ()
    "tpu.region"() ({
      %run_scoped3A = tpu.sem_alloc : memref<!tpu.dma_semaphore, #tpu.memory_space<semaphore_mem>>
      %dma_start3A = arith.constant 0 : i32
      %dma_start3A_22 = tpu.memref_slice %arg11[%arg0, %mul3A_2, %dma_start3A] : memref<2x10112x64xf32, #tpu.memory_space<hbm>> -> memref<1x632x64xf32, #tpu.memory_space<hbm>>
      %dma_start3A_23 = tpu.memref_squeeze %dma_start3A_22 : memref<1x632x64xf32, #tpu.memory_space<hbm>> -> memref<632x64xf32, #tpu.memory_space<hbm>>
      %dma_start3A_24 = arith.constant 0 : i32
      %dma_start3A_25 = tpu.memref_slice %arg21[%mul3A_2, %dma_start3A_24] : memref<10112x64xf32, #tpu.memory_space<vmem_shared>> -> memref<632x64xf32, #tpu.memory_space<vmem_shared>>
      tpu.enqueue_dma source(%dma_start3A_25 : memref<632x64xf32, #tpu.memory_space<vmem_shared>>) target(%dma_start3A_23 : memref<632x64xf32, #tpu.memory_space<hbm>>) target_semaphore(%run_scoped3A : memref<!tpu.dma_semaphore, #tpu.memory_space<semaphore_mem>>)
      %dma_wait3A = arith.constant 0 : i32
      %dma_wait3A_26 = tpu.memref_slice %arg11[%arg0, %mul3A_2, %dma_wait3A] : memref<2x10112x64xf32, #tpu.memory_space<hbm>> -> memref<1x632x64xf32, #tpu.memory_space<hbm>>
      %dma_wait3A_27 = tpu.memref_squeeze %dma_wait3A_26 : memref<1x632x64xf32, #tpu.memory_space<hbm>> -> memref<632x64xf32, #tpu.memory_space<hbm>>
      %dma_wait3A_28 = arith.constant 0 : i32
      %dma_wait3A_29 = tpu.memref_slice %arg21[%mul3A_2, %dma_wait3A_28] : memref<10112x64xf32, #tpu.memory_space<vmem_shared>> -> memref<632x64xf32, #tpu.memory_space<vmem_shared>>
      tpu.wait_dma2 semaphore(%run_scoped3A : memref<!tpu.dma_semaphore, #tpu.memory_space<semaphore_mem>>) src(%dma_wait3A_29 : memref<632x64xf32, #tpu.memory_space<vmem_shared>>) dst(%dma_wait3A_27 : memref<632x64xf32, #tpu.memory_space<hbm>>)
      tpu.yield
    }) : () -> ()
    return
  }
}

module attributes {stable_mosaic.version = 14 : i64} {
  func.func @_edge_body(%arg0: i32, %arg1: memref<632x128xf32, #tpu.memory_space<vmem>>, %arg2: memref<128x2048xf32, #tpu.memory_space<vmem>>, %arg3: memref<128x512xf32, #tpu.memory_space<vmem>>, %arg4: memref<632x2048xf32, #tpu.memory_space<vmem>>, %arg5: memref<632x512xf32, #tpu.memory_space<vmem>>, %arg6: memref<8x2048xf32, #tpu.memory_space<vmem>>, %arg7: memref<8x512xf32, #tpu.memory_space<vmem>>) attributes {dimension_semantics = [#tpu.dimension_semantics<arbitrary>], iteration_bounds = array<i64: 16>, scalar_prefetch = 0 : i64, scratch_operands = 0 : i64, tpu.core_type = #tpu.core_type<tc>, window_params = [{transform_indices = @transform_0, window_bounds = array<i64: 632, 128>}, {pipeline_mode = #tpu.pipeline_mode<synchronous>, transform_indices = @transform_1, window_bounds = array<i64: 128, 2048>}, {pipeline_mode = #tpu.pipeline_mode<synchronous>, transform_indices = @transform_2, window_bounds = array<i64: 128, 512>}, {transform_indices = @transform_3, window_bounds = array<i64: 632, 2048>}, {transform_indices = @transform_4, window_bounds = array<i64: 632, 512>}, {pipeline_mode = #tpu.pipeline_mode<synchronous>, transform_indices = @transform_5, window_bounds = array<i64: 8, 2048>}, {pipeline_mode = #tpu.pipeline_mode<synchronous>, transform_indices = @transform_6, window_bounds = array<i64: 8, 512>}]} {
    %get3A = arith.constant 0 : index
    %get3A_0 = arith.constant 0 : index
    %get3A_1 = vector.load %arg1[%get3A, %get3A_0] : memref<632x128xf32, #tpu.memory_space<vmem>>, vector<632x128xf32>
    %iota3A = tpu.iota {dimensions = array<i32: 0>} : vector<632x1xi32>
    %mul3A = arith.constant 632 : i32
    %mul3A_2 = arith.muli %arg0, %mul3A : i32
    %add3A = vector.broadcast %mul3A_2 : i32 to vector<632x1xi32>
    %add3A_3 = arith.addi %iota3A, %add3A : vector<632x1xi32>
    %ge3A = arith.constant 10000 : i32
    %ge3A_4 = vector.broadcast %ge3A : i32 to vector<632x1xi32>
    %ge3A_5 = arith.cmpi sge, %add3A_3, %ge3A_4 : vector<632x1xi32>
    %get3A_6 = arith.constant 0 : index
    %get3A_7 = arith.constant 0 : index
    %get3A_8 = vector.load %arg2[%get3A_6, %get3A_7] : memref<128x2048xf32, #tpu.memory_space<vmem>>, vector<128x2048xf32>
    %dot_general3A = arith.constant dense<0.000000e+00> : vector<632x2048xf32>
    %dot_general3A_9 = tpu.matmul %get3A_1, %get3A_8, %dot_general3A {dimension_numbers = #tpu.dot_dimension_numbers<[1], [0], [0], [1], [0, 0, 1, 1], [], []>, transpose_lhs_hint = false} : vector<632x128xf32>, vector<128x2048xf32>, vector<632x2048xf32> -> vector<632x2048xf32>
    %jit3A = arith.constant -1.000000e+30 : f32
    %broadcast_in_dim3A = vector.shape_cast %ge3A_5 : vector<632x1xi1> to vector<632x1xi1>
    %broadcast_in_dim3A_10 = vector.broadcast %broadcast_in_dim3A : vector<632x1xi1> to vector<632x2048xi1>
    %broadcast_in_dim3A_11 = vector.broadcast %jit3A : f32 to vector<632x2048xf32>
    %select_n3A = arith.select %broadcast_in_dim3A_10, %broadcast_in_dim3A_11, %dot_general3A_9 : vector<632x2048xi1>, vector<632x2048xf32>
    %swap3A = arith.constant 0 : index
    %swap3A_12 = arith.constant 0 : index
    %swap3A_13 = vector.load %arg4[%swap3A, %swap3A_12] : memref<632x2048xf32, #tpu.memory_space<vmem>>, vector<632x2048xf32>
    tpu.vector_store %arg4[%swap3A, %swap3A_12], %select_n3A {strides = array<i32>} : memref<632x2048xf32, #tpu.memory_space<vmem>>, vector<632x2048xf32>,
    %get3A_14 = arith.constant 0 : index
    %get3A_15 = arith.constant 0 : index
    %get3A_16 = vector.load %arg3[%get3A_14, %get3A_15] : memref<128x512xf32, #tpu.memory_space<vmem>>, vector<128x512xf32>
    %dot_general3A_17 = arith.constant dense<0.000000e+00> : vector<632x512xf32>
    %dot_general3A_18 = tpu.matmul %get3A_1, %get3A_16, %dot_general3A_17 {dimension_numbers = #tpu.dot_dimension_numbers<[1], [0], [0], [1], [0, 0, 1, 1], [], []>, transpose_lhs_hint = false} : vector<632x128xf32>, vector<128x512xf32>, vector<632x512xf32> -> vector<632x512xf32>
    %jit3A_19 = arith.constant -1.000000e+30 : f32
    %broadcast_in_dim3A_20 = vector.shape_cast %ge3A_5 : vector<632x1xi1> to vector<632x1xi1>
    %broadcast_in_dim3A_21 = vector.broadcast %broadcast_in_dim3A_20 : vector<632x1xi1> to vector<632x512xi1>
    %broadcast_in_dim3A_22 = vector.broadcast %jit3A_19 : f32 to vector<632x512xf32>
    %select_n3A_23 = arith.select %broadcast_in_dim3A_21, %broadcast_in_dim3A_22, %dot_general3A_18 : vector<632x512xi1>, vector<632x512xf32>
    %swap3A_24 = arith.constant 0 : index
    %swap3A_25 = arith.constant 0 : index
    %swap3A_26 = vector.load %arg5[%swap3A_24, %swap3A_25] : memref<632x512xf32, #tpu.memory_space<vmem>>, vector<632x512xf32>
    tpu.vector_store %arg5[%swap3A_24, %swap3A_25], %select_n3A_23 {strides = array<i32>} : memref<632x512xf32, #tpu.memory_space<vmem>>, vector<632x512xf32>,
    %reduce_max3A = arith.constant dense<0xFF800000> : vector<2048xf32>
    %reduce_max3A_27 = vector.multi_reduction <maximumf>, %select_n3A, %reduce_max3A [0] : vector<632x2048xf32> to vector<2048xf32>
    %broadcast_in_dim3A_28 = vector.shape_cast %reduce_max3A_27 : vector<2048xf32> to vector<1x2048xf32>
    %broadcast_in_dim3A_29 = vector.shape_cast %broadcast_in_dim3A_28 : vector<1x2048xf32> to vector<1x2048xf32>
    %broadcast_in_dim3A_30 = vector.broadcast %broadcast_in_dim3A_29 : vector<1x2048xf32> to vector<8x2048xf32>
    %reduce_max3A_31 = arith.constant dense<0xFF800000> : vector<512xf32>
    %reduce_max3A_32 = vector.multi_reduction <maximumf>, %select_n3A_23, %reduce_max3A_31 [0] : vector<632x512xf32> to vector<512xf32>
    %broadcast_in_dim3A_33 = vector.shape_cast %reduce_max3A_32 : vector<512xf32> to vector<1x512xf32>
    %broadcast_in_dim3A_34 = vector.shape_cast %broadcast_in_dim3A_33 : vector<1x512xf32> to vector<1x512xf32>
    %broadcast_in_dim3A_35 = vector.broadcast %broadcast_in_dim3A_34 : vector<1x512xf32> to vector<8x512xf32>
    %eq3A = arith.constant 0 : i32
    %eq3A_36 = arith.cmpi eq, %arg0, %eq3A : i32
    %convert_element_type3A = arith.extui %eq3A_36 : i1 to i32
    %cond3A = arith.constant 0 : i32
    %cond3A_37 = arith.cmpi ne, %convert_element_type3A, %cond3A : i32
    scf.if %cond3A_37 {
      %swap3A_42 = arith.constant 0 : index
      %swap3A_43 = arith.constant 0 : index
      %swap3A_44 = vector.load %arg6[%swap3A_42, %swap3A_43] : memref<8x2048xf32, #tpu.memory_space<vmem>>, vector<8x2048xf32>
      tpu.vector_store %arg6[%swap3A_42, %swap3A_43], %broadcast_in_dim3A_30 {strides = array<i32>} : memref<8x2048xf32, #tpu.memory_space<vmem>>, vector<8x2048xf32>,
      %swap3A_45 = arith.constant 0 : index
      %swap3A_46 = arith.constant 0 : index
      %swap3A_47 = vector.load %arg7[%swap3A_45, %swap3A_46] : memref<8x512xf32, #tpu.memory_space<vmem>>, vector<8x512xf32>
      tpu.vector_store %arg7[%swap3A_45, %swap3A_46], %broadcast_in_dim3A_35 {strides = array<i32>} : memref<8x512xf32, #tpu.memory_space<vmem>>, vector<8x512xf32>,
    } else {
    }
    %gt3A = arith.constant 0 : i32
    %gt3A_38 = arith.cmpi sgt, %arg0, %gt3A : i32
    %convert_element_type3A_39 = arith.extui %gt3A_38 : i1 to i32
    %cond3A_40 = arith.constant 0 : i32
    %cond3A_41 = arith.cmpi ne, %convert_element_type3A_39, %cond3A_40 : i32
    scf.if %cond3A_41 {
      %get3A_42 = arith.constant 0 : index
      %get3A_43 = arith.constant 0 : index
      %get3A_44 = vector.load %arg6[%get3A_42, %get3A_43] : memref<8x2048xf32, #tpu.memory_space<vmem>>, vector<8x2048xf32>
      %max3A = arith.maximumf %get3A_44, %broadcast_in_dim3A_30 : vector<8x2048xf32>
      %swap3A_45 = arith.constant 0 : index
      %swap3A_46 = arith.constant 0 : index
      %swap3A_47 = vector.load %arg6[%swap3A_45, %swap3A_46] : memref<8x2048xf32, #tpu.memory_space<vmem>>, vector<8x2048xf32>
      tpu.vector_store %arg6[%swap3A_45, %swap3A_46], %max3A {strides = array<i32>} : memref<8x2048xf32, #tpu.memory_space<vmem>>, vector<8x2048xf32>,
      %get3A_48 = arith.constant 0 : index
      %get3A_49 = arith.constant 0 : index
      %get3A_50 = vector.load %arg7[%get3A_48, %get3A_49] : memref<8x512xf32, #tpu.memory_space<vmem>>, vector<8x512xf32>
      %max3A_51 = arith.maximumf %get3A_50, %broadcast_in_dim3A_35 : vector<8x512xf32>
      %swap3A_52 = arith.constant 0 : index
      %swap3A_53 = arith.constant 0 : index
      %swap3A_54 = vector.load %arg7[%swap3A_52, %swap3A_53] : memref<8x512xf32, #tpu.memory_space<vmem>>, vector<8x512xf32>
      tpu.vector_store %arg7[%swap3A_52, %swap3A_53], %max3A_51 {strides = array<i32>} : memref<8x512xf32, #tpu.memory_space<vmem>>, vector<8x512xf32>,
    } else {
    }
    return
  }
  func.func @transform_0(%arg0: i32) -> (i32, i32) {
    %c0_i32 = arith.constant 0 : i32
    %c0_i32_0 = arith.constant 0 : i32
    return %arg0, %c0_i32 : i32, i32
  }
  func.func @transform_1(%arg0: i32) -> (i32, i32) {
    %c0_i32 = arith.constant 0 : i32
    %c0_i32_0 = arith.constant 0 : i32
    %c0_i32_1 = arith.constant 0 : i32
    return %c0_i32, %c0_i32_0 : i32, i32
  }
  func.func @transform_2(%arg0: i32) -> (i32, i32) {
    %c0_i32 = arith.constant 0 : i32
    %c0_i32_0 = arith.constant 0 : i32
    %c0_i32_1 = arith.constant 0 : i32
    return %c0_i32, %c0_i32_0 : i32, i32
  }
  func.func @transform_3(%arg0: i32) -> (i32, i32) {
    %c0_i32 = arith.constant 0 : i32
    %c0_i32_0 = arith.constant 0 : i32
    return %arg0, %c0_i32 : i32, i32
  }
  func.func @transform_4(%arg0: i32) -> (i32, i32) {
    %c0_i32 = arith.constant 0 : i32
    %c0_i32_0 = arith.constant 0 : i32
    return %arg0, %c0_i32 : i32, i32
  }
  func.func @transform_5(%arg0: i32) -> (i32, i32) {
    %c0_i32 = arith.constant 0 : i32
    %c0_i32_0 = arith.constant 0 : i32
    %c0_i32_1 = arith.constant 0 : i32
    return %c0_i32, %c0_i32_0 : i32, i32
  }
  func.func @transform_6(%arg0: i32) -> (i32, i32) {
    %c0_i32 = arith.constant 0 : i32
    %c0_i32_0 = arith.constant 0 : i32
    %c0_i32_1 = arith.constant 0 : i32
    return %c0_i32, %c0_i32_0 : i32, i32
  }
}

module attributes {stable_mosaic.version = 14 : i64} {
  func.func @_node1_body(%arg0: i32, %arg1: memref<1000x128xf32, #tpu.memory_space<vmem>>, %arg2: memref<128x64xf32, #tpu.memory_space<vmem>>, %arg3: memref<64x64xf32, #tpu.memory_space<vmem>>, %arg4: memref<64x64xf32, #tpu.memory_space<vmem>>, %arg5: memref<1000x64xf32, #tpu.memory_space<vmem>>, %arg6: memref<1000x64xf32, #tpu.memory_space<vmem>>, %arg7: memref<1000x64xf32, #tpu.memory_space<vmem>>, %arg8: memref<8x64xf32, #tpu.memory_space<vmem>>, %arg9: memref<8x64xf32, #tpu.memory_space<vmem>>) attributes {dimension_semantics = [#tpu.dimension_semantics<arbitrary>], iteration_bounds = array<i64: 10>, scalar_prefetch = 0 : i64, scratch_operands = 0 : i64, tpu.core_type = #tpu.core_type<tc>, window_params = [{transform_indices = @transform_0, window_bounds = array<i64: 1000, 128>}, {pipeline_mode = #tpu.pipeline_mode<synchronous>, transform_indices = @transform_1, window_bounds = array<i64: 128, 64>}, {pipeline_mode = #tpu.pipeline_mode<synchronous>, transform_indices = @transform_2, window_bounds = array<i64: 64, 64>}, {pipeline_mode = #tpu.pipeline_mode<synchronous>, transform_indices = @transform_3, window_bounds = array<i64: 64, 64>}, {transform_indices = @transform_4, window_bounds = array<i64: 1000, 64>}, {transform_indices = @transform_5, window_bounds = array<i64: 1000, 64>}, {transform_indices = @transform_6, window_bounds = array<i64: 1000, 64>}, {pipeline_mode = #tpu.pipeline_mode<synchronous>, transform_indices = @transform_7, window_bounds = array<i64: 8, 64>}, {pipeline_mode = #tpu.pipeline_mode<synchronous>, transform_indices = @transform_8, window_bounds = array<i64: 8, 64>}]} {
    %get3A = arith.constant 0 : index
    %get3A_0 = arith.constant 0 : index
    %get3A_1 = vector.load %arg1[%get3A, %get3A_0] : memref<1000x128xf32, #tpu.memory_space<vmem>>, vector<1000x128xf32>
    %get3A_2 = arith.constant 0 : index
    %get3A_3 = arith.constant 0 : index
    %get3A_4 = vector.load %arg2[%get3A_2, %get3A_3] : memref<128x64xf32, #tpu.memory_space<vmem>>, vector<128x64xf32>
    %dot_general3A = arith.constant dense<0.000000e+00> : vector<1000x64xf32>
    %dot_general3A_5 = tpu.matmul %get3A_1, %get3A_4, %dot_general3A {dimension_numbers = #tpu.dot_dimension_numbers<[1], [0], [0], [1], [0, 0, 1, 1], [], []>, transpose_lhs_hint = false} : vector<1000x128xf32>, vector<128x64xf32>, vector<1000x64xf32> -> vector<1000x64xf32>
    %swap3A = arith.constant 0 : index
    %swap3A_6 = arith.constant 0 : index
    %swap3A_7 = vector.load %arg5[%swap3A, %swap3A_6] : memref<1000x64xf32, #tpu.memory_space<vmem>>, vector<1000x64xf32>
    tpu.vector_store %arg5[%swap3A, %swap3A_6], %dot_general3A_5 {strides = array<i32>} : memref<1000x64xf32, #tpu.memory_space<vmem>>, vector<1000x64xf32>,
    %get3A_8 = arith.constant 0 : index
    %get3A_9 = arith.constant 0 : index
    %get3A_10 = vector.load %arg3[%get3A_8, %get3A_9] : memref<64x64xf32, #tpu.memory_space<vmem>>, vector<64x64xf32>
    %dot_general3A_11 = arith.constant dense<0.000000e+00> : vector<1000x64xf32>
    %dot_general3A_12 = tpu.matmul %dot_general3A_5, %get3A_10, %dot_general3A_11 {dimension_numbers = #tpu.dot_dimension_numbers<[1], [0], [0], [1], [0, 0, 1, 1], [], []>, transpose_lhs_hint = false} : vector<1000x64xf32>, vector<64x64xf32>, vector<1000x64xf32> -> vector<1000x64xf32>
    %swap3A_13 = arith.constant 0 : index
    %swap3A_14 = arith.constant 0 : index
    %swap3A_15 = vector.load %arg6[%swap3A_13, %swap3A_14] : memref<1000x64xf32, #tpu.memory_space<vmem>>, vector<1000x64xf32>
    tpu.vector_store %arg6[%swap3A_13, %swap3A_14], %dot_general3A_12 {strides = array<i32>} : memref<1000x64xf32, #tpu.memory_space<vmem>>, vector<1000x64xf32>,
    %get3A_16 = arith.constant 0 : index
    %get3A_17 = arith.constant 0 : index
    %get3A_18 = vector.load %arg4[%get3A_16, %get3A_17] : memref<64x64xf32, #tpu.memory_space<vmem>>, vector<64x64xf32>
    %dot_general3A_19 = arith.constant dense<0.000000e+00> : vector<1000x64xf32>
    %dot_general3A_20 = tpu.matmul %dot_general3A_5, %get3A_18, %dot_general3A_19 {dimension_numbers = #tpu.dot_dimension_numbers<[1], [0], [0], [1], [0, 0, 1, 1], [], []>, transpose_lhs_hint = false} : vector<1000x64xf32>, vector<64x64xf32>, vector<1000x64xf32> -> vector<1000x64xf32>
    %swap3A_21 = arith.constant 0 : index
    %swap3A_22 = arith.constant 0 : index
    %swap3A_23 = vector.load %arg7[%swap3A_21, %swap3A_22] : memref<1000x64xf32, #tpu.memory_space<vmem>>, vector<1000x64xf32>
    tpu.vector_store %arg7[%swap3A_21, %swap3A_22], %dot_general3A_20 {strides = array<i32>} : memref<1000x64xf32, #tpu.memory_space<vmem>>, vector<1000x64xf32>,
    %reduce_max3A = arith.constant dense<0xFF800000> : vector<64xf32>
    %reduce_max3A_24 = vector.multi_reduction <maximumf>, %dot_general3A_12, %reduce_max3A [0] : vector<1000x64xf32> to vector<64xf32>
    %broadcast_in_dim3A = vector.shape_cast %reduce_max3A_24 : vector<64xf32> to vector<1x64xf32>
    %broadcast_in_dim3A_25 = vector.shape_cast %broadcast_in_dim3A : vector<1x64xf32> to vector<1x64xf32>
    %broadcast_in_dim3A_26 = vector.broadcast %broadcast_in_dim3A_25 : vector<1x64xf32> to vector<8x64xf32>
    %reduce_max3A_27 = arith.constant dense<0xFF800000> : vector<64xf32>
    %reduce_max3A_28 = vector.multi_reduction <maximumf>, %dot_general3A_20, %reduce_max3A_27 [0] : vector<1000x64xf32> to vector<64xf32>
    %broadcast_in_dim3A_29 = vector.shape_cast %reduce_max3A_28 : vector<64xf32> to vector<1x64xf32>
    %broadcast_in_dim3A_30 = vector.shape_cast %broadcast_in_dim3A_29 : vector<1x64xf32> to vector<1x64xf32>
    %broadcast_in_dim3A_31 = vector.broadcast %broadcast_in_dim3A_30 : vector<1x64xf32> to vector<8x64xf32>
    %eq3A = arith.constant 0 : i32
    %eq3A_32 = arith.cmpi eq, %arg0, %eq3A : i32
    %convert_element_type3A = arith.extui %eq3A_32 : i1 to i32
    %cond3A = arith.constant 0 : i32
    %cond3A_33 = arith.cmpi ne, %convert_element_type3A, %cond3A : i32
    scf.if %cond3A_33 {
      %swap3A_38 = arith.constant 0 : index
      %swap3A_39 = arith.constant 0 : index
      %swap3A_40 = vector.load %arg8[%swap3A_38, %swap3A_39] : memref<8x64xf32, #tpu.memory_space<vmem>>, vector<8x64xf32>
      tpu.vector_store %arg8[%swap3A_38, %swap3A_39], %broadcast_in_dim3A_26 {strides = array<i32>} : memref<8x64xf32, #tpu.memory_space<vmem>>, vector<8x64xf32>,
      %swap3A_41 = arith.constant 0 : index
      %swap3A_42 = arith.constant 0 : index
      %swap3A_43 = vector.load %arg9[%swap3A_41, %swap3A_42] : memref<8x64xf32, #tpu.memory_space<vmem>>, vector<8x64xf32>
      tpu.vector_store %arg9[%swap3A_41, %swap3A_42], %broadcast_in_dim3A_31 {strides = array<i32>} : memref<8x64xf32, #tpu.memory_space<vmem>>, vector<8x64xf32>,
    } else {
    }
    %gt3A = arith.constant 0 : i32
    %gt3A_34 = arith.cmpi sgt, %arg0, %gt3A : i32
    %convert_element_type3A_35 = arith.extui %gt3A_34 : i1 to i32
    %cond3A_36 = arith.constant 0 : i32
    %cond3A_37 = arith.cmpi ne, %convert_element_type3A_35, %cond3A_36 : i32
    scf.if %cond3A_37 {
      %get3A_38 = arith.constant 0 : index
      %get3A_39 = arith.constant 0 : index
      %get3A_40 = vector.load %arg8[%get3A_38, %get3A_39] : memref<8x64xf32, #tpu.memory_space<vmem>>, vector<8x64xf32>
      %max3A = arith.maximumf %get3A_40, %broadcast_in_dim3A_26 : vector<8x64xf32>
      %swap3A_41 = arith.constant 0 : index
      %swap3A_42 = arith.constant 0 : index
      %swap3A_43 = vector.load %arg8[%swap3A_41, %swap3A_42] : memref<8x64xf32, #tpu.memory_space<vmem>>, vector<8x64xf32>
      tpu.vector_store %arg8[%swap3A_41, %swap3A_42], %max3A {strides = array<i32>} : memref<8x64xf32, #tpu.memory_space<vmem>>, vector<8x64xf32>,
      %get3A_44 = arith.constant 0 : index
      %get3A_45 = arith.constant 0 : index
      %get3A_46 = vector.load %arg9[%get3A_44, %get3A_45] : memref<8x64xf32, #tpu.memory_space<vmem>>, vector<8x64xf32>
      %max3A_47 = arith.maximumf %get3A_46, %broadcast_in_dim3A_31 : vector<8x64xf32>
      %swap3A_48 = arith.constant 0 : index
      %swap3A_49 = arith.constant 0 : index
      %swap3A_50 = vector.load %arg9[%swap3A_48, %swap3A_49] : memref<8x64xf32, #tpu.memory_space<vmem>>, vector<8x64xf32>
      tpu.vector_store %arg9[%swap3A_48, %swap3A_49], %max3A_47 {strides = array<i32>} : memref<8x64xf32, #tpu.memory_space<vmem>>, vector<8x64xf32>,
    } else {
    }
    return
  }
  func.func @transform_0(%arg0: i32) -> (i32, i32) {
    %c0_i32 = arith.constant 0 : i32
    %c0_i32_0 = arith.constant 0 : i32
    return %arg0, %c0_i32 : i32, i32
  }
  func.func @transform_1(%arg0: i32) -> (i32, i32) {
    %c0_i32 = arith.constant 0 : i32
    %c0_i32_0 = arith.constant 0 : i32
    %c0_i32_1 = arith.constant 0 : i32
    return %c0_i32, %c0_i32_0 : i32, i32
  }
  func.func @transform_2(%arg0: i32) -> (i32, i32) {
    %c0_i32 = arith.constant 0 : i32
    %c0_i32_0 = arith.constant 0 : i32
    %c0_i32_1 = arith.constant 0 : i32
    return %c0_i32, %c0_i32_0 : i32, i32
  }
  func.func @transform_3(%arg0: i32) -> (i32, i32) {
    %c0_i32 = arith.constant 0 : i32
    %c0_i32_0 = arith.constant 0 : i32
    %c0_i32_1 = arith.constant 0 : i32
    return %c0_i32, %c0_i32_0 : i32, i32
  }
  func.func @transform_4(%arg0: i32) -> (i32, i32) {
    %c0_i32 = arith.constant 0 : i32
    %c0_i32_0 = arith.constant 0 : i32
    return %arg0, %c0_i32 : i32, i32
  }
  func.func @transform_5(%arg0: i32) -> (i32, i32) {
    %c0_i32 = arith.constant 0 : i32
    %c0_i32_0 = arith.constant 0 : i32
    return %arg0, %c0_i32 : i32, i32
  }
  func.func @transform_6(%arg0: i32) -> (i32, i32) {
    %c0_i32 = arith.constant 0 : i32
    %c0_i32_0 = arith.constant 0 : i32
    return %arg0, %c0_i32 : i32, i32
  }
  func.func @transform_7(%arg0: i32) -> (i32, i32) {
    %c0_i32 = arith.constant 0 : i32
    %c0_i32_0 = arith.constant 0 : i32
    %c0_i32_1 = arith.constant 0 : i32
    return %c0_i32, %c0_i32_0 : i32, i32
  }
  func.func @transform_8(%arg0: i32) -> (i32, i32) {
    %c0_i32 = arith.constant 0 : i32
    %c0_i32_0 = arith.constant 0 : i32
    %c0_i32_1 = arith.constant 0 : i32
    return %c0_i32, %c0_i32_0 : i32, i32
  }
}

module attributes {stable_mosaic.version = 14 : i64} {
  func.func @_mid_body(%arg0: i32, %arg1: memref<1000x64xf32, #tpu.memory_space<vmem>>, %arg2: memref<1000x64xf32, #tpu.memory_space<vmem>>, %arg3: memref<1000x64xf32, #tpu.memory_space<vmem>>, %arg4: memref<1000x64xf32, #tpu.memory_space<vmem>>, %arg5: memref<1x64xf32, #tpu.memory_space<vmem>>, %arg6: memref<64x16xf32, #tpu.memory_space<vmem>>, %arg7: memref<16x16xf32, #tpu.memory_space<vmem>>, %arg8: memref<16x16xf32, #tpu.memory_space<vmem>>, %arg9: memref<1000x16xf32, #tpu.memory_space<vmem>>, %arg10: memref<1000x16xf32, #tpu.memory_space<vmem>>, %arg11: memref<1000x16xf32, #tpu.memory_space<vmem>>, %arg12: memref<8x16xf32, #tpu.memory_space<vmem>>, %arg13: memref<8x16xf32, #tpu.memory_space<vmem>>) attributes {dimension_semantics = [#tpu.dimension_semantics<arbitrary>], iteration_bounds = array<i64: 10>, scalar_prefetch = 0 : i64, scratch_operands = 0 : i64, tpu.core_type = #tpu.core_type<tc>, window_params = [{transform_indices = @transform_0, window_bounds = array<i64: 1000, 64>}, {transform_indices = @transform_1, window_bounds = array<i64: 1000, 64>}, {transform_indices = @transform_2, window_bounds = array<i64: 1000, 64>}, {transform_indices = @transform_3, window_bounds = array<i64: 1000, 64>}, {pipeline_mode = #tpu.pipeline_mode<synchronous>, transform_indices = @transform_4, window_bounds = array<i64: 1, 64>}, {pipeline_mode = #tpu.pipeline_mode<synchronous>, transform_indices = @transform_5, window_bounds = array<i64: 64, 16>}, {pipeline_mode = #tpu.pipeline_mode<synchronous>, transform_indices = @transform_6, window_bounds = array<i64: 16, 16>}, {pipeline_mode = #tpu.pipeline_mode<synchronous>, transform_indices = @transform_7, window_bounds = array<i64: 16, 16>}, {transform_indices = @transform_8, window_bounds = array<i64: 1000, 16>}, {transform_indices = @transform_9, window_bounds = array<i64: 1000, 16>}, {transform_indices = @transform_10, window_bounds = array<i64: 1000, 16>}, {pipeline_mode = #tpu.pipeline_mode<synchronous>, transform_indices = @transform_11, window_bounds = array<i64: 8, 16>}, {pipeline_mode = #tpu.pipeline_mode<synchronous>, transform_indices = @transform_12, window_bounds = array<i64: 8, 16>}]} {
    %get3A = arith.constant 0 : index
    %get3A_0 = arith.constant 0 : index
    %get3A_1 = vector.load %arg1[%get3A, %get3A_0] : memref<1000x64xf32, #tpu.memory_space<vmem>>, vector<1000x64xf32>
    %get3A_2 = arith.constant 0 : index
    %get3A_3 = arith.constant 0 : index
    %get3A_4 = vector.load %arg2[%get3A_2, %get3A_3] : memref<1000x64xf32, #tpu.memory_space<vmem>>, vector<1000x64xf32>
    %add3A = arith.addf %get3A_1, %get3A_4 : vector<1000x64xf32>
    %get3A_5 = arith.constant 0 : index
    %get3A_6 = arith.constant 0 : index
    %get3A_7 = vector.load %arg3[%get3A_5, %get3A_6] : memref<1000x64xf32, #tpu.memory_space<vmem>>, vector<1000x64xf32>
    %get3A_8 = arith.constant 0 : index
    %get3A_9 = arith.constant 0 : index
    %get3A_10 = vector.load %arg4[%get3A_8, %get3A_9] : memref<1000x64xf32, #tpu.memory_space<vmem>>, vector<1000x64xf32>
    %add3A_11 = arith.addf %get3A_7, %get3A_10 : vector<1000x64xf32>
    %add3A_12 = arith.constant 1.000000e-16 : f32
    %add3A_13 = vector.broadcast %add3A_12 : f32 to vector<1000x64xf32>
    %add3A_14 = arith.addf %add3A_11, %add3A_13 : vector<1000x64xf32>
    %div3A = arith.divf %add3A, %add3A_14 : vector<1000x64xf32>
    %get3A_15 = arith.constant 0 : index
    %get3A_16 = arith.constant 0 : index
    %get3A_17 = vector.load %arg5[%get3A_15, %get3A_16] : memref<1x64xf32, #tpu.memory_space<vmem>>, vector<1x64xf32>
    %add3A_18 = vector.broadcast %get3A_17 : vector<1x64xf32> to vector<1000x64xf32>
    %add3A_19 = arith.addf %div3A, %add3A_18 : vector<1000x64xf32>
    %gt3A = arith.constant 0.000000e+00 : f32
    %gt3A_20 = vector.broadcast %gt3A : f32 to vector<1000x64xf32>
    %gt3A_21 = arith.cmpf ogt, %add3A_19, %gt3A_20 : vector<1000x64xf32>
    %exp3A = math.exp %add3A_19 : vector<1000x64xf32>
    %sub3A = arith.constant 1.000000e+00 : f32
    %sub3A_22 = vector.broadcast %sub3A : f32 to vector<1000x64xf32>
    %sub3A_23 = arith.subf %exp3A, %sub3A_22 : vector<1000x64xf32>
    %select_n3A = arith.select %gt3A_21, %add3A_19, %sub3A_23 : vector<1000x64xi1>, vector<1000x64xf32>
    %get3A_24 = arith.constant 0 : index
    %get3A_25 = arith.constant 0 : index
    %get3A_26 = vector.load %arg6[%get3A_24, %get3A_25] : memref<64x16xf32, #tpu.memory_space<vmem>>, vector<64x16xf32>
    %dot_general3A = arith.constant dense<0.000000e+00> : vector<1000x16xf32>
    %dot_general3A_27 = tpu.matmul %select_n3A, %get3A_26, %dot_general3A {dimension_numbers = #tpu.dot_dimension_numbers<[1], [0], [0], [1], [0, 0, 1, 1], [], []>, transpose_lhs_hint = false} : vector<1000x64xf32>, vector<64x16xf32>, vector<1000x16xf32> -> vector<1000x16xf32>
    %swap3A = arith.constant 0 : index
    %swap3A_28 = arith.constant 0 : index
    %swap3A_29 = vector.load %arg9[%swap3A, %swap3A_28] : memref<1000x16xf32, #tpu.memory_space<vmem>>, vector<1000x16xf32>
    tpu.vector_store %arg9[%swap3A, %swap3A_28], %dot_general3A_27 {strides = array<i32>} : memref<1000x16xf32, #tpu.memory_space<vmem>>, vector<1000x16xf32>,
    %get3A_30 = arith.constant 0 : index
    %get3A_31 = arith.constant 0 : index
    %get3A_32 = vector.load %arg7[%get3A_30, %get3A_31] : memref<16x16xf32, #tpu.memory_space<vmem>>, vector<16x16xf32>
    %dot_general3A_33 = arith.constant dense<0.000000e+00> : vector<1000x16xf32>
    %dot_general3A_34 = tpu.matmul %dot_general3A_27, %get3A_32, %dot_general3A_33 {dimension_numbers = #tpu.dot_dimension_numbers<[1], [0], [0], [1], [0, 0, 1, 1], [], []>, transpose_lhs_hint = false} : vector<1000x16xf32>, vector<16x16xf32>, vector<1000x16xf32> -> vector<1000x16xf32>
    %swap3A_35 = arith.constant 0 : index
    %swap3A_36 = arith.constant 0 : index
    %swap3A_37 = vector.load %arg10[%swap3A_35, %swap3A_36] : memref<1000x16xf32, #tpu.memory_space<vmem>>, vector<1000x16xf32>
    tpu.vector_store %arg10[%swap3A_35, %swap3A_36], %dot_general3A_34 {strides = array<i32>} : memref<1000x16xf32, #tpu.memory_space<vmem>>, vector<1000x16xf32>,
    %get3A_38 = arith.constant 0 : index
    %get3A_39 = arith.constant 0 : index
    %get3A_40 = vector.load %arg8[%get3A_38, %get3A_39] : memref<16x16xf32, #tpu.memory_space<vmem>>, vector<16x16xf32>
    %dot_general3A_41 = arith.constant dense<0.000000e+00> : vector<1000x16xf32>
    %dot_general3A_42 = tpu.matmul %dot_general3A_27, %get3A_40, %dot_general3A_41 {dimension_numbers = #tpu.dot_dimension_numbers<[1], [0], [0], [1], [0, 0, 1, 1], [], []>, transpose_lhs_hint = false} : vector<1000x16xf32>, vector<16x16xf32>, vector<1000x16xf32> -> vector<1000x16xf32>
    %swap3A_43 = arith.constant 0 : index
    %swap3A_44 = arith.constant 0 : index
    %swap3A_45 = vector.load %arg11[%swap3A_43, %swap3A_44] : memref<1000x16xf32, #tpu.memory_space<vmem>>, vector<1000x16xf32>
    tpu.vector_store %arg11[%swap3A_43, %swap3A_44], %dot_general3A_42 {strides = array<i32>} : memref<1000x16xf32, #tpu.memory_space<vmem>>, vector<1000x16xf32>,
    %reduce_max3A = arith.constant dense<0xFF800000> : vector<16xf32>
    %reduce_max3A_46 = vector.multi_reduction <maximumf>, %dot_general3A_34, %reduce_max3A [0] : vector<1000x16xf32> to vector<16xf32>
    %broadcast_in_dim3A = vector.shape_cast %reduce_max3A_46 : vector<16xf32> to vector<1x16xf32>
    %broadcast_in_dim3A_47 = vector.shape_cast %broadcast_in_dim3A : vector<1x16xf32> to vector<1x16xf32>
    %broadcast_in_dim3A_48 = vector.broadcast %broadcast_in_dim3A_47 : vector<1x16xf32> to vector<8x16xf32>
    %reduce_max3A_49 = arith.constant dense<0xFF800000> : vector<16xf32>
    %reduce_max3A_50 = vector.multi_reduction <maximumf>, %dot_general3A_42, %reduce_max3A_49 [0] : vector<1000x16xf32> to vector<16xf32>
    %broadcast_in_dim3A_51 = vector.shape_cast %reduce_max3A_50 : vector<16xf32> to vector<1x16xf32>
    %broadcast_in_dim3A_52 = vector.shape_cast %broadcast_in_dim3A_51 : vector<1x16xf32> to vector<1x16xf32>
    %broadcast_in_dim3A_53 = vector.broadcast %broadcast_in_dim3A_52 : vector<1x16xf32> to vector<8x16xf32>
    %eq3A = arith.constant 0 : i32
    %eq3A_54 = arith.cmpi eq, %arg0, %eq3A : i32
    %convert_element_type3A = arith.extui %eq3A_54 : i1 to i32
    %cond3A = arith.constant 0 : i32
    %cond3A_55 = arith.cmpi ne, %convert_element_type3A, %cond3A : i32
    scf.if %cond3A_55 {
      %swap3A_61 = arith.constant 0 : index
      %swap3A_62 = arith.constant 0 : index
      %swap3A_63 = vector.load %arg12[%swap3A_61, %swap3A_62] : memref<8x16xf32, #tpu.memory_space<vmem>>, vector<8x16xf32>
      tpu.vector_store %arg12[%swap3A_61, %swap3A_62], %broadcast_in_dim3A_48 {strides = array<i32>} : memref<8x16xf32, #tpu.memory_space<vmem>>, vector<8x16xf32>,
      %swap3A_64 = arith.constant 0 : index
      %swap3A_65 = arith.constant 0 : index
      %swap3A_66 = vector.load %arg13[%swap3A_64, %swap3A_65] : memref<8x16xf32, #tpu.memory_space<vmem>>, vector<8x16xf32>
      tpu.vector_store %arg13[%swap3A_64, %swap3A_65], %broadcast_in_dim3A_53 {strides = array<i32>} : memref<8x16xf32, #tpu.memory_space<vmem>>, vector<8x16xf32>,
    } else {
    }
    %gt3A_56 = arith.constant 0 : i32
    %gt3A_57 = arith.cmpi sgt, %arg0, %gt3A_56 : i32
    %convert_element_type3A_58 = arith.extui %gt3A_57 : i1 to i32
    %cond3A_59 = arith.constant 0 : i32
    %cond3A_60 = arith.cmpi ne, %convert_element_type3A_58, %cond3A_59 : i32
    scf.if %cond3A_60 {
      %get3A_61 = arith.constant 0 : index
      %get3A_62 = arith.constant 0 : index
      %get3A_63 = vector.load %arg12[%get3A_61, %get3A_62] : memref<8x16xf32, #tpu.memory_space<vmem>>, vector<8x16xf32>
      %max3A = arith.maximumf %get3A_63, %broadcast_in_dim3A_48 : vector<8x16xf32>
      %swap3A_64 = arith.constant 0 : index
      %swap3A_65 = arith.constant 0 : index
      %swap3A_66 = vector.load %arg12[%swap3A_64, %swap3A_65] : memref<8x16xf32, #tpu.memory_space<vmem>>, vector<8x16xf32>
      tpu.vector_store %arg12[%swap3A_64, %swap3A_65], %max3A {strides = array<i32>} : memref<8x16xf32, #tpu.memory_space<vmem>>, vector<8x16xf32>,
      %get3A_67 = arith.constant 0 : index
      %get3A_68 = arith.constant 0 : index
      %get3A_69 = vector.load %arg13[%get3A_67, %get3A_68] : memref<8x16xf32, #tpu.memory_space<vmem>>, vector<8x16xf32>
      %max3A_70 = arith.maximumf %get3A_69, %broadcast_in_dim3A_53 : vector<8x16xf32>
      %swap3A_71 = arith.constant 0 : index
      %swap3A_72 = arith.constant 0 : index
      %swap3A_73 = vector.load %arg13[%swap3A_71, %swap3A_72] : memref<8x16xf32, #tpu.memory_space<vmem>>, vector<8x16xf32>
      tpu.vector_store %arg13[%swap3A_71, %swap3A_72], %max3A_70 {strides = array<i32>} : memref<8x16xf32, #tpu.memory_space<vmem>>, vector<8x16xf32>,
    } else {
    }
    return
  }
  func.func @transform_0(%arg0: i32) -> (i32, i32) {
    %c0_i32 = arith.constant 0 : i32
    %c0_i32_0 = arith.constant 0 : i32
    return %arg0, %c0_i32 : i32, i32
  }
  func.func @transform_1(%arg0: i32) -> (i32, i32) {
    %c0_i32 = arith.constant 0 : i32
    %c0_i32_0 = arith.constant 0 : i32
    return %arg0, %c0_i32 : i32, i32
  }
  func.func @transform_2(%arg0: i32) -> (i32, i32) {
    %c0_i32 = arith.constant 0 : i32
    %c0_i32_0 = arith.constant 0 : i32
    return %arg0, %c0_i32 : i32, i32
  }
  func.func @transform_3(%arg0: i32) -> (i32, i32) {
    %c0_i32 = arith.constant 0 : i32
    %c0_i32_0 = arith.constant 0 : i32
    return %arg0, %c0_i32 : i32, i32
  }
  func.func @transform_4(%arg0: i32) -> (i32, i32) {
    %c0_i32 = arith.constant 0 : i32
    %c0_i32_0 = arith.constant 0 : i32
    %c0_i32_1 = arith.constant 0 : i32
    return %c0_i32, %c0_i32_0 : i32, i32
  }
  func.func @transform_5(%arg0: i32) -> (i32, i32) {
    %c0_i32 = arith.constant 0 : i32
    %c0_i32_0 = arith.constant 0 : i32
    %c0_i32_1 = arith.constant 0 : i32
    return %c0_i32, %c0_i32_0 : i32, i32
  }
  func.func @transform_6(%arg0: i32) -> (i32, i32) {
    %c0_i32 = arith.constant 0 : i32
    %c0_i32_0 = arith.constant 0 : i32
    %c0_i32_1 = arith.constant 0 : i32
    return %c0_i32, %c0_i32_0 : i32, i32
  }
  func.func @transform_7(%arg0: i32) -> (i32, i32) {
    %c0_i32 = arith.constant 0 : i32
    %c0_i32_0 = arith.constant 0 : i32
    %c0_i32_1 = arith.constant 0 : i32
    return %c0_i32, %c0_i32_0 : i32, i32
  }
  func.func @transform_8(%arg0: i32) -> (i32, i32) {
    %c0_i32 = arith.constant 0 : i32
    %c0_i32_0 = arith.constant 0 : i32
    return %arg0, %c0_i32 : i32, i32
  }
  func.func @transform_9(%arg0: i32) -> (i32, i32) {
    %c0_i32 = arith.constant 0 : i32
    %c0_i32_0 = arith.constant 0 : i32
    return %arg0, %c0_i32 : i32, i32
  }
  func.func @transform_10(%arg0: i32) -> (i32, i32) {
    %c0_i32 = arith.constant 0 : i32
    %c0_i32_0 = arith.constant 0 : i32
    return %arg0, %c0_i32 : i32, i32
  }
  func.func @transform_11(%arg0: i32) -> (i32, i32) {
    %c0_i32 = arith.constant 0 : i32
    %c0_i32_0 = arith.constant 0 : i32
    %c0_i32_1 = arith.constant 0 : i32
    return %c0_i32, %c0_i32_0 : i32, i32
  }
  func.func @transform_12(%arg0: i32) -> (i32, i32) {
    %c0_i32 = arith.constant 0 : i32
    %c0_i32_0 = arith.constant 0 : i32
    %c0_i32_1 = arith.constant 0 : i32
    return %c0_i32, %c0_i32_0 : i32, i32
  }
}

module attributes {stable_mosaic.version = 14 : i64} {
  func.func @_post_body(%arg0: i32, %arg1: memref<1000x16xf32, #tpu.memory_space<vmem>>, %arg2: memref<1000x16xf32, #tpu.memory_space<vmem>>, %arg3: memref<1000x16xf32, #tpu.memory_space<vmem>>, %arg4: memref<1000x16xf32, #tpu.memory_space<vmem>>, %arg5: memref<1x16xf32, #tpu.memory_space<vmem>>, %arg6: memref<1000x16xf32, #tpu.memory_space<vmem>>) attributes {dimension_semantics = [#tpu.dimension_semantics<arbitrary>], iteration_bounds = array<i64: 10>, scalar_prefetch = 0 : i64, scratch_operands = 0 : i64, tpu.core_type = #tpu.core_type<tc>, window_params = [{transform_indices = @transform_0, window_bounds = array<i64: 1000, 16>}, {transform_indices = @transform_1, window_bounds = array<i64: 1000, 16>}, {transform_indices = @transform_2, window_bounds = array<i64: 1000, 16>}, {transform_indices = @transform_3, window_bounds = array<i64: 1000, 16>}, {pipeline_mode = #tpu.pipeline_mode<synchronous>, transform_indices = @transform_4, window_bounds = array<i64: 1, 16>}, {transform_indices = @transform_5, window_bounds = array<i64: 1000, 16>}]} {
    %get3A = arith.constant 0 : index
    %get3A_0 = arith.constant 0 : index
    %get3A_1 = vector.load %arg1[%get3A, %get3A_0] : memref<1000x16xf32, #tpu.memory_space<vmem>>, vector<1000x16xf32>
    %get3A_2 = arith.constant 0 : index
    %get3A_3 = arith.constant 0 : index
    %get3A_4 = vector.load %arg2[%get3A_2, %get3A_3] : memref<1000x16xf32, #tpu.memory_space<vmem>>, vector<1000x16xf32>
    %add3A = arith.addf %get3A_1, %get3A_4 : vector<1000x16xf32>
    %get3A_5 = arith.constant 0 : index
    %get3A_6 = arith.constant 0 : index
    %get3A_7 = vector.load %arg3[%get3A_5, %get3A_6] : memref<1000x16xf32, #tpu.memory_space<vmem>>, vector<1000x16xf32>
    %get3A_8 = arith.constant 0 : index
    %get3A_9 = arith.constant 0 : index
    %get3A_10 = vector.load %arg4[%get3A_8, %get3A_9] : memref<1000x16xf32, #tpu.memory_space<vmem>>, vector<1000x16xf32>
    %add3A_11 = arith.addf %get3A_7, %get3A_10 : vector<1000x16xf32>
    %add3A_12 = arith.constant 1.000000e-16 : f32
    %add3A_13 = vector.broadcast %add3A_12 : f32 to vector<1000x16xf32>
    %add3A_14 = arith.addf %add3A_11, %add3A_13 : vector<1000x16xf32>
    %div3A = arith.divf %add3A, %add3A_14 : vector<1000x16xf32>
    %get3A_15 = arith.constant 0 : index
    %get3A_16 = arith.constant 0 : index
    %get3A_17 = vector.load %arg5[%get3A_15, %get3A_16] : memref<1x16xf32, #tpu.memory_space<vmem>>, vector<1x16xf32>
    %add3A_18 = vector.broadcast %get3A_17 : vector<1x16xf32> to vector<1000x16xf32>
    %add3A_19 = arith.addf %div3A, %add3A_18 : vector<1000x16xf32>
    %reduce_max3A = arith.constant dense<0xFF800000> : vector<1000xf32>
    %reduce_max3A_20 = vector.multi_reduction <maximumf>, %add3A_19, %reduce_max3A [1] : vector<1000x16xf32> to vector<1000xf32>
    %broadcast_in_dim3A = vector.shape_cast %reduce_max3A_20 : vector<1000xf32> to vector<1000x1xf32>
    %sub3A = vector.broadcast %broadcast_in_dim3A : vector<1000x1xf32> to vector<1000x16xf32>
    %sub3A_21 = arith.subf %add3A_19, %sub3A : vector<1000x16xf32>
    %exp3A = math.exp %sub3A_21 : vector<1000x16xf32>
    %reduce_sum3A = arith.constant dense<0.000000e+00> : vector<1000xf32>
    %reduce_sum3A_22 = vector.multi_reduction <add>, %exp3A, %reduce_sum3A [1] : vector<1000x16xf32> to vector<1000xf32>
    %broadcast_in_dim3A_23 = vector.shape_cast %reduce_sum3A_22 : vector<1000xf32> to vector<1000x1xf32>
    %log3A = math.log %broadcast_in_dim3A_23 : vector<1000x1xf32>
    %sub3A_24 = vector.broadcast %log3A : vector<1000x1xf32> to vector<1000x16xf32>
    %sub3A_25 = arith.subf %sub3A_21, %sub3A_24 : vector<1000x16xf32>
    %swap3A = arith.constant 0 : index
    %swap3A_26 = arith.constant 0 : index
    %swap3A_27 = vector.load %arg6[%swap3A, %swap3A_26] : memref<1000x16xf32, #tpu.memory_space<vmem>>, vector<1000x16xf32>
    tpu.vector_store %arg6[%swap3A, %swap3A_26], %sub3A_25 {strides = array<i32>} : memref<1000x16xf32, #tpu.memory_space<vmem>>, vector<1000x16xf32>,
    return
  }
  func.func @transform_0(%arg0: i32) -> (i32, i32) {
    %c0_i32 = arith.constant 0 : i32
    %c0_i32_0 = arith.constant 0 : i32
    return %arg0, %c0_i32 : i32, i32
  }
  func.func @transform_1(%arg0: i32) -> (i32, i32) {
    %c0_i32 = arith.constant 0 : i32
    %c0_i32_0 = arith.constant 0 : i32
    return %arg0, %c0_i32 : i32, i32
  }
  func.func @transform_2(%arg0: i32) -> (i32, i32) {
    %c0_i32 = arith.constant 0 : i32
    %c0_i32_0 = arith.constant 0 : i32
    return %arg0, %c0_i32 : i32, i32
  }
  func.func @transform_3(%arg0: i32) -> (i32, i32) {
    %c0_i32 = arith.constant 0 : i32
    %c0_i32_0 = arith.constant 0 : i32
    return %arg0, %c0_i32 : i32, i32
  }
  func.func @transform_4(%arg0: i32) -> (i32, i32) {
    %c0_i32 = arith.constant 0 : i32
    %c0_i32_0 = arith.constant 0 : i32
    %c0_i32_1 = arith.constant 0 : i32
    return %c0_i32, %c0_i32_0 : i32, i32
  }
  func.func @transform_5(%arg0: i32) -> (i32, i32) {
    %c0_i32 = arith.constant 0 : i32
    %c0_i32_0 = arith.constant 0 : i32
    return %arg0, %c0_i32 : i32, i32
  }
}

</mosaic_0001>

<sc_bundles>
// kernel: kernel.11.cloned.1.call-start
scs
__scs_entry_jumppad:
0x0: {  	(pc) =	sbr.rel $0x88, $3  }
0x1: {  	(tag) =	ssettag $0x0;
	lr =	simm.s32 $0x1  }
0x2: {  	[smem:$0x3F96] =	sst lr;
	_ =	strace $0xD0000000  }
0x3: {  	_ = 	snop  }
0x4: {  	_ = 	snop  }
0x5: {  	_ = 	snop  }
0x6: {  	_ = 	snop  }
0x7: {  	_ = 	snop  }
__scs_overlays_trampoline_lowered:
0x8: {  	[smem:$0x3FA5] =	sst s0  }
0x9: {  	[smem:$0x3FA6] =	sst s1  }
0xa: {  	[smem:$0x3FA7] =	sst s2  }
0xb: {  	[smem:$0x3FA8] =	sst s3  }
0xc: {  	[smem:$0x3FA9] =	sst s4  }
0xd: {  	[smem:$0x3FAA] =	sst s5  }
0xe: {  	[smem:$0x3FAB] =	sst s6  }
0xf: {  	[smem:$0x3FAC] =	sst s7  }
0x10: {  	[smem:$0x3FAD] =	sst s8  }
0x11: {  	[smem:$0x3FAE] =	sst s9;
	s0 =	simm.s32 @!p0 $0x0  }
0x12: {  	s1 =	sld [smem:$0x3F94];
	s0 =	simm.s32 @p0 $0x1  }
0x13: {  	[smem:$0x3FAF] =	sst s0;
	s0 =	simm.s32 @!p1 $0x0  }
0x14: {  	s2 =	sld [smem:$0x3F93];
	s0 =	simm.s32 @p1 $0x1  }
0x15: {  	[smem:$0x3FB0] =	sst s0;
	s0 =	simm.s32 @!p2 $0x0  }
0x16: {  	s3 =	sld [smem:$0x3FDB];
	s0 =	simm.s32 @p2 $0x1  }
0x17: {  	s4 =	simm.s32 $0x1BF5;
	[smem:$0x3FB2] =	sst s0  }
0x18: {  	s0 =	sld [smem:$0x3F95];
	_ =	swait.ge [sflag:s4], $0x0  }
0x19: {  	s7 =	sld [smem:$0x3F96]  }
0x1a: {  	s8 =	sadd.s32 $0xFFFFE003, lr  }
0x1b: {  	s9 =	sadd.s32 $0xFFFFFEF7, lr;
	s5 =	simm.s32 $0xFFFFFFFF;
	p2 =	slt.u32 s8, $0xFFFFF086  }
0x1c: {  	p1 =	slt.u32 s9, $0xF7A;
	s5 =	simm.s32 @!p2 $0x0  }
0x1d: {  	s5 =	simm.s32 @p1 $0x1;
	p0 =	seq.s32 s7, s2  }
0x1e: {  	s7 =	smul.u32 @!p0 $0xF7A, s2;
	p2 =	seq.s32 @!p0 s5, $0x0  }
0x1f: {  	s9 =	smul.u32 $0xF7A, s1;
	s8 =	simm.s32 @!p0 $0x1BF5;
	p2 =	por !p2, p0  }
0x20: {  	[sflag:s8] =	ssyncset.s32 @!p0 $0xFFFFF086;
	s6 =	sadd.s32 @!p0 s3, s7;
	s7 =	simm.s32 @!p0 $0x108  }
0x21: {  	s3 =	sadd.s32 s3, s9;
	s6 =	sadd.s32 @!p0 $0x88, s6;
	s7 =	simm.s32 @p2 $0x1082  }
0x22: {  	[simem:s7], [sflag:s8] =	dma.local @!p0 [hbm:s6], $0xF7A  }
0x23: {  	s9 =	sor.u32 $0xD0000000, s2;
	s6 =	simm.s32 $0x108;
	_ =	swait.ge @!p0 [sflag:s8], $0x0  }
0x24: {  	s3 =	sadd.s32 $0x88, s3;
	s6 =	simm.s32 @!p1 $0x1082;
	[sflag:s4] =	ssyncset.s32 $0xFFFFF086  }
0x25: {  	[simem:s6], [sflag:s4] =	dma.local [hbm:s3], $0xF7A  }
0x26: {  	[smem:$0x3F96] =	sst s1;
	(tag) =	ssettag s2;
	_ =	strace s9  }
0x27: {  	s1 =	sld [smem:$0x3FA6]  }
0x28: {  	s2 =	sld [smem:$0x3FA7]  }
0x29: {  	s4 =	sld [smem:$0x3FA9]  }
0x2a: {  	p0 =	seq.s32 s5, $0x0;
	s5 =	sld [smem:$0x3FAA]  }
0x2b: {  	s6 =	sld [smem:$0x3FAB]  }
0x2c: {  	s7 =	sld [smem:$0x3FAC]  }
0x2d: {  	s3 =	simm.s32 $0x108;
	s8 =	sld [smem:$0x3FAD]  }
0x2e: {  	s3 =	simm.s32 @!p0 $0x1082;
	s9 =	sld [smem:$0x3FAE]  }
0x2f: {  	lr =	sadd.s32 s0, s3;
	s0 =	sld [smem:$0x3FA5]  }
0x30: {  	s3 =	sld [smem:$0x3FA8]  }
0x31: {  	[smem:$0x3FB1] =	sst s10  }
0x32: {  	s10 =	sld [smem:$0x3FAF];
	_ =	sdelay $0x3  }
0x33: {  	p0 =	seq.s32 s10, $0x1;
	s10 =	sld [smem:$0x3FB1];
	_ =	sdelay $0x3  }
0x34: {  	[smem:$0x3FB1] =	sst s10  }
0x35: {  	s10 =	sld [smem:$0x3FB0];
	_ =	sdelay $0x3  }
0x36: {  	p1 =	seq.s32 s10, $0x1;
	s10 =	sld [smem:$0x3FB1];
	_ =	sdelay $0x3  }
0x37: {  	[smem:$0x3FB1] =	sst s10  }
0x38: {  	s10 =	sld [smem:$0x3FB2]  }
0x39: {  	_ = 	snop;
	(pc) =	sbr.ind lr, $3  }
0x3a: {  	_ = 	snop  }
0x3b: {  	_ = 	snop  }
0x3c: {  	p2 =	seq.s32 s10, $0x1;
	s10 =	sld [smem:$0x3FB1]  }
0x3d: {  	_ =	shalt  }
0x3e: {  	_ =	shalt  }
0x3f: {  	_ =	shalt  }
0x40: {  	_ =	shalt  }
0x41: {  	_ =	shalt  }
0x42: {  	_ =	shalt  }
0x43: {  	_ =	shalt  }
0x44: {  	_ =	shalt  }
0x45: {  	_ =	shalt  }
0x46: {  	_ =	shalt  }
0x47: {  	_ =	shalt  }
0x48: {  	_ =	shalt  }
0x49: {  	_ =	shalt  }
0x4a: {  	_ =	shalt  }
0x4b: {  	_ =	shalt  }
0x4c: {  	_ =	shalt  }
0x4d: {  	_ =	shalt  }
0x4e: {  	_ =	shalt  }
0x4f: {  	_ =	shalt  }
0x50: {  	_ =	shalt  }
0x51: {  	_ =	shalt  }
0x52: {  	_ =	shalt  }
0x53: {  	_ =	shalt  }
0x54: {  	_ =	shalt  }
0x55: {  	_ =	shalt  }
0x56: {  	_ =	shalt  }
0x57: {  	_ =	shalt  }
0x58: {  	_ =	shalt  }
0x59: {  	_ =	shalt  }
0x5a: {  	_ =	shalt  }
0x5b: {  	_ =	shalt  }
0x5c: {  	_ =	shalt  }
0x5d: {  	_ =	shalt  }
0x5e: {  	_ =	shalt  }
0x5f: {  	_ =	shalt  }
0x60: {  	_ =	shalt  }
0x61: {  	_ =	shalt  }
0x62: {  	_ =	shalt  }
0x63: {  	_ =	shalt  }
0x64: {  	_ =	shalt  }
0x65: {  	_ =	shalt  }
0x66: {  	_ =	shalt  }
0x67: {  	_ =	shalt  }
0x68: {  	_ =	shalt  }
0x69: {  	_ =	shalt  }
0x6a: {  	_ =	shalt  }
0x6b: {  	_ =	shalt  }
0x6c: {  	_ =	shalt  }
0x6d: {  	_ =	shalt  }
0x6e: {  	_ =	shalt  }
0x6f: {  	_ =	shalt  }
0x70: {  	_ =	shalt  }
0x71: {  	_ =	shalt  }
0x72: {  	_ =	shalt  }
0x73: {  	_ =	shalt  }
0x74: {  	_ =	shalt  }
0x75: {  	_ =	shalt  }
0x76: {  	_ =	shalt  }
0x77: {  	_ =	shalt  }
0x78: {  	_ =	shalt  }
0x79: {  	_ =	shalt  }
0x7a: {  	_ =	shalt  }
0x7b: {  	_ =	shalt  }
0x7c: {  	_ =	shalt  }
0x7d: {  	_ =	shalt  }
0x7e: {  	_ =	shalt  }
0x7f: {  	_ =	shalt  }
0x80: {  	_ =	shalt  }
0x81: {  	_ =	shalt  }
0x82: {  	_ =	shalt  }
0x83: {  	_ =	shalt  }
0x84: {  	_ =	shalt  }
0x85: {  	_ =	shalt  }
0x86: {  	_ =	shalt  }
0x87: {  	_ =	shalt  }
.Lfunc_end0:
.L_simem_size_0:
called_computation.2_lowered:
.L_overlay_start_0:
0x88: {  	s2 =	sld [smem:$0x3FD9]  }
0x89: {  	s3 =	sld [smem:$0x3FFE];
	_ =	sdelay $0x1  }
0x8a: {  	s1 =	srdreg.scid  }
0x8b: {  	s0 =	sand.u32 $0x1, s1  }
0x8c: {  	s17 =	sshll.u32 s0, $0xA;
	s2 =	sadd.s32 s3, s2  }
0x8d: {  	s2 =	sadd.s32 s2, s17  }
0x8e: {  	[smem:$0x3FBD] =	sst s2  }
0x8f: {  	_ = 	snop  }
0x90: {  	s2 =	sld [smem:$0x3FD0];
	(tm) =	ssettm $0x1  }
0x91: {  	s18 =	sld [smem:$0x3FFB];
	_ =	sdelay $0x3  }
0x92: {  	_ =	strace s18  }
0x93: {  	s3 =	sld [smem:$0x3FFC];
	_ =	sdelay $0x3  }
0x94: {  	_ =	strace s3  }
0x95: {  	s3 =	sld [smem:$0x3FFD];
	_ =	sdelay $0x3  }
0x96: {  	_ =	strace s3  }
0x97: {  	_ =	strace $0x8FFFFFFF  }
0x98: {  	s19 =	sld [smem:$0x3FDB];
	_ =	sdelay $0x1  }
0x99: {  	s4 =	simm.s32 $_scs_section_size  }
0x9a: {  	s5 =	simm.s32 $_size__tile_overlayer_lowered;
	s6 =	simm.s32 $_tile_overlayer_lowered  }
0x9b: {  	s22 =	simm.s32 $0x1BFF;
	s21 =	sshll.u32 s6, $0x1;
	s3 =	sadd.s32 s4, s19  }
0x9c: {  	s7 =	simm.s32 $0x0;
	s20 =	sshll.u32 s5, $0x1;
	s5 =	sadd.s32 s21, s3  }
0x9d: {  	[timem:s7], [sflag:s22] =	dma.local [hbm:s5], s20  }
0x9e: {  	_ =	swait.ge [sflag:s22], s20  }
0x9f: {  	s4 =	ssub.s32 $0x0, s20;
	[sflag:s22] =	ssyncset.done $0x0  }
0xa0: {  	[sflag:s22] =	ssyncadd.s32 s4;
	_ =	sdelay $0x1  }
0xa1: {  	s23 =	simm.s32 $0x1B8B  }
0xa2: {  	_ =	swait.ge [sflag:s23], $0x1  }
0xa3: {  	[sflag:s23] =	ssyncset.done $0x0  }
0xa4: {  	s25 =	simm.s32 $0x1B8E;
	s24 =	sld [smem:$0x3FFE];
	[sflag:s23] =	ssyncadd.s32 $0xFFFFFFFF  }
0xa5: {  	s26 =	simm.s32 $execute0_lowered;
	[smem:$0x3FD2] =	sst s25  }
0xa6: {  	s5 =	sshll.u32 s26, $0x1;
	_ =	strace $0x8000004C;
	[dreg:$0x1] =	wrdreg $0xFFFFFFFF  }
0xa7: {  	s28 =	simm.s32 $_size_execute0_lowered;
	s3 =	sadd.s32 s3, s5;
	[dreg:$0x0] =	wrdreg $0x0  }
0xa8: {  	s5 =	sshll.u32 s28, $0x1;
	[dreg:$0x2] =	wrdreg s3  }
0xa9: {  	[dreg:$0x3] =	wrdreg s5  }
0xaa: {  	[dreg:$0x4] =	wrdreg $0xC0  }
0xab: {  	_ =	task [dreg:s7], $0x5FFFF  }
0xac: {  	[dreg:$0x1] =	wrdreg $0xFFFFFFFF  }
0xad: {  	[dreg:$0x0] =	wrdreg $0x60  }
0xae: {  	[dreg:$0x2] =	wrdreg s24  }
0xaf: {  	[dreg:$0x3] =	wrdreg s2  }
0xb0: {  	[dreg:$0x4] =	wrdreg $0x29100  }
0xb1: {  	[dreg:$0x5] =	wrdreg $0x50900  }
0xb2: {  	[dreg:$0x6] =	wrdreg $0x9  }
0xb3: {  	_ =	task.clear_ibuf [dreg:s7], $0x7FFFF;
	_ =	strace $0x9000004C  }
0xb4: {  	s29 =	simm.s32 $0x9;
	_ =	strace $0x8000004E  }
0xb5: {  	_ =	swait.ge [sflag:s29], $0x1  }
0xb6: {  	[sflag:s29] =	ssyncadd.s32 $0xFFFFFFFF  }
0xb7: {  	_ =	strace $0x9000004E  }
0xb8: {  	_ =	sfence  }
0xb9: {  	s30 =	sld [smem:$0x0];
	_ =	sdelay $0x2  }
0xba: {  	s31 =	sshll.u32 s1, $0xD;
	s1 =	sshrl.u32 s1, $0x2  }
0xbb: {  	s3 =	sand.u32 $0x4000, s31;
	s1 =	sadd.s32 s1, s30  }
0xbc: {  	s0 =	sor.u32 s3, s0;
	s1 =	sshll.u32 s1, $0x11  }
0xbd: {  	s0 =	sor.u32 s1, s0  }
0xbe: {  	s0 =	sadd.s32 $0x8F2B, s0  }
0xbf: {  	[sflag:s0] =	ssyncadd.remote.s32 $0x1  }
0xc0: {  	_ =	sfence.sel $0xFFFF  }
0xc1: {  	[dreg:$0x0] =	wrdreg $0xFFFFFFFF;
	(pc) =	sbr.abs _section_cstart, $3  }
0xc2: {  	[dreg:$0x1] =	wrdreg $0xFFFFFFFF  }
0xc3: {  	_ =	task.clear_ibuf [dreg:s7], $0x2FFFF;
	_ =	strace $0x9FFFFFFF  }
0xc4: {  	(tm) =	ssettm $0x7FFFFFFF  }
0xc5: {  	_ =	shalt  }
tec
execute0_lowered:
.L_overlay_start_1:
0x0: {  	(tag) =	ssettag $0x1  }
0x1: {  	s0 =	rddreg [dreg:$0x0]  }
0x2: {  	s3 =	rddreg [dreg:$0x1]  }
0x3: {  	s1 =	rddreg [dreg:$0x2]  }
0x4: {  	s2 =	rddreg [dreg:$0x3]  }
0x5: {  	s4 =	simm.s32 $0x0;
	s22 =	srdreg.scid;
	s14 =	stileid.u32  }
0x6: {  	s19 =	simm.s32 $0x2;
	s28 =	simm.s32 $0x1;
	s29 =	simm.s32 $0x1900  }
0x7: {  	s30 =	simm.s32 $0x0;
	[smem:$0x7FF] =	sst s4;
	s11 =	smul.u32 $0x2780, s14  }
0x8: {  	s4 =	sand.u32 $0x1, s22;
	s5 =	sadd.s32 $0x592800, s0;
	s6 =	sadd.s32 $0x59C600, s0  }
0x9: {  	s7 =	sadd.s32 $0x4000, s0;
	s8 =	sadd.s32 $0x9000, s0;
	s9 =	sadd.s32 $0x66C00, s0  }
0xa: {  	s10 =	sadd.s32 $0xE000, s0;
	s13 =	sadd.s32 $0x13000, s0;
	s26 =	sshll.u32 s14, $0x6  }
0xb: {  	s22 =	simm.s32 $0x80;
	_ =	strace $0x8000004D;
	s12 =	smul.u32 $0x27800, s4  }
0xc: {  	[dreg:$0x5] =	wrdreg s13;
	s23 =	ssub.s32 $0x2, s4;
	s4 =	sshll.u32 s4, $0x4  }
0xd: {  	s13 =	sor.u32 $0x1C02, s26;
	s26 =	simm.s32 $0x1100;
	s24 =	sshrl.u32 s23, $0x1  }
0xe: {  	s4 =	sor.u32 s14, s4;
	s25 =	sshrl.u32 s11, $0x3;
	s18 =	sadd.s32 s11, s1  }
0xf: {  	s31 =	sadd.s32 s11, s2;
	s12 =	sadd.s32 s11, s12;
	s17 =	ssub.s32 s23, s24  }
0x10: {  	s14 =	smul.u32 $0x2780, s4;
	s18 =	sshrl.u32 s18, $0x3;
	s20 =	sshrl.u32 s31, $0x3  }
0x11: {  	s23 =	simm.s32 $0x100;
	s24 =	simm.s32 $0x900;
	s12 =	sshrl.u32 s12, $0x3  }
0x12: {  	s17 =	smax.u32 s17, $0x1;
	s0 =	sadd.s32 s12, s0;
	s12 =	sadd.s32 s3, s25  }
0x13: {  	s25 =	simm.s32 $0x2100;
	s15 =	sadd.s32 $0x13200, s0;
	s16 =	sadd.s32 $0x1D000, s0  }
.LBB2_1:
0x14: {  	[spmem:s18], [sflag:s13] =	dma.local [hbm:s12], $0x4F0  }
0x15: {  	_ =	swait.ge [sflag:s19], $0x4F0  }
0x16: {  	[sflag:s19] =	ssyncset.done $0x0  }
0x17: {  	[sflag:s19] =	ssyncadd.s32 $0xFFFFFB10  }
0x18: {  	[spmem:s20], [sflag:s13] =	dma.local [hbm:s12], $0x4F0  }
0x19: {  	_ =	swait.ge [sflag:s19], $0x4F0  }
0x1a: {  	s0 =	simm.s32 $0x0;
	[sflag:s19] =	ssyncset.done $0x0  }
0x1b: {  	s4 =	simm.s32 $0x2900;
	s3 =	rddreg [dreg:$0x5];
	[sflag:s19] =	ssyncadd.s32 $0xFFFFFB10  }
0x1c: {  	[tilespmem:s4], [sflag:$0x2] =	stream.linear.gather [hbm4b:s3+s0], $0x10, $0x38;
	[tilespmem:$0x7810] =	vst v63  }
0x1d: {  	_ =	swait.ge [sflag:s19], $0x10  }
0x1e: {  	[sflag:s19] =	ssyncset.done $0x0  }
0x1f: {  	[sflag:s19] =	ssyncadd.s32 $0xFFFFFFF0  }
0x20: {  	[bflag:$0x0] =	sbarrier.arrive $0xFFFF  }
0x21: {  	s31 =	simm.s32 $0x0;
	v0 =	vld [tilespmem:$0x2900]  }
.LBB2_2:
0x22: {  	s0 =	sshll.u32 s31, $0x7  }
0x23: {  	s0 =	sadd.s32 s14, s0  }
0x24: {  	s3 =	sshrl.u32 s0, $0x3  }
0x25: {  	s11 =	simm.s32 $0x0;
	s4 =	sadd.s32 s5, s3  }
0x26: {  	[tilespmem:s11], [sflag:$0x2] =	stream.linear.gather [hbm4b:s4+s11], $0x80, $0x38;
	[tilespmem:$0x7810] =	vst v63  }
0x27: {  	_ =	swait.ge [sflag:s19], $0x80  }
0x28: {  	[sflag:s19] =	ssyncset.done $0x0  }
0x29: {  	s3 =	sadd.s32 s6, s3;
	[sflag:s19] =	ssyncadd.s32 $0xFFFFFF80  }
0x2a: {  	[tilespmem:s22], [sflag:$0x2] =	stream.linear.gather [hbm4b:s3+s11], $0x80, $0x38;
	[tilespmem:$0x7810] =	vst v63  }
0x2b: {  	_ =	swait.ge [sflag:s19], $0x80  }
0x2c: {  	[sflag:s19] =	ssyncset.done $0x0  }
0x2d: {  	[sflag:s19] =	ssyncadd.s32 $0xFFFFFF80  }
0x2e: {  	[tilespmem:s23], [sflag:$0x1] =	stream.indirect.gather [hbm4b:s8+s22], $0x10, s11, s22, $0xb8;
	[tilespmem:$0x7810] =	vst v63  }
0x2f: {  	_ = 	snop  }
0x30: {  	[tilespmem:s24], [sflag:$0x1] =	stream.indirect.gather [hbm4b:s7+s22], $0x10, s22, s22, $0xb8;
	[tilespmem:$0x7810] =	vst v63  }
0x31: {  	s0 =	sshll.u32 s0, $0x1  }
0x32: {  	[tilespmem:s25], [sflag:$0x1] =	stream.indirect.gather [hbm4b:s10+s22], $0x10, s11, s22, $0xb8;
	[tilespmem:$0x7810] =	vst v63  }
0x33: {  	s0 =	sadd.s32 s9, s0  }
0x34: {  	[tilespmem:s26], [sflag:$0x1] =	stream.linear.gather [hbm4b:s0+s11], $0x800, $0x38;
	[tilespmem:$0x7810] =	vst v63  }
0x35: {  	_ =	swait.ge [sflag:s28], $0x800  }
0x36: {  	[sflag:s28] =	ssyncset.done $0x0  }
0x37: {  	[sflag:s28] =	ssyncadd.s32 $0xFFFFF800  }
0x38: {  	_ =	swait.ge [sflag:s28], $0x800  }
0x39: {  	[sflag:s28] =	ssyncset.done $0x0  }
0x3a: {  	[sflag:s28] =	ssyncadd.s32 $0xFFFFF800  }
0x3b: {  	_ =	swait.ge [sflag:s28], $0x800  }
0x3c: {  	[sflag:s28] =	ssyncset.done $0x0  }
0x3d: {  	[sflag:s28] =	ssyncadd.s32 $0xFFFFF800  }
0x3e: {  	_ =	swait.ge [sflag:s28], $0x800  }
0x3f: {  	[sflag:s28] =	ssyncset.done $0x0  }
0x40: {  	s4 =	simm.s32 $0x0;
	[sflag:s28] =	ssyncadd.s32 $0xFFFFF800  }
0x41: {  	v1 =	vld [tilespmem:s4+$0x100]  }
0x42: {  	v2 =	vld [tilespmem:s4+$0x900];
	_ =	sdelay $0x1  }
0x43: {  	s0 =	simm.s32 $0x10;
	v3 =	vld [tilespmem:s4+$0x1100]  }
0x44: {  	v4 =	vld [tilespmem:s0+$0x100]  }
0x45: {  	v5 =	vld [tilespmem:s0+$0x900]  }
0x46: {  	v1 =	vadd.f32 v2, v1;
	_ =	sdelay $0x1  }
0x47: {  	v1 =	vadd.f32 v3, v1;
	_ =	sdelay $0x1  }
0x48: {  	v2 =	vadd.f32 v5, v4;
	v4 =	vmul.f32 $2.000000030e-01, v1  }
0x49: {  	v6 =	vld [tilespmem:s0+$0x1100]  }
0x4a: {  	v1 =	vmax.f32 v1, v4  }
0x4b: {  	v1 =	vsub.f32 v1, v0;
	_ =	sdelay $0x1  }
0x4c: {  	s3 =	simm.s32 $0x20;
	v1 =	vmul.f32 $1.442695020e+00, v1  }
0x4d: {  	v5 =	vld [tilespmem:s3+$0x900];
	v2 =	vadd.f32 v6, v2  }
0x4e: {  	v3 =	vld [tilespmem:s3+$0x100];
	(erf) = vpow2.f32 v1  }
0x4f: {  	v4 =	vmul.f32 $2.000000030e-01, v2  }
0x50: {  	v6 =	vld [tilespmem:s3+$0x1100]  }
0x51: {  	v2 =	vmax.f32 v2, v4  }
0x52: {  	v4 =	vsub.f32 v2, v0  }
0x53: {  	v3 =	vadd.f32 v5, v3;
	v2 =	vld [tilespmem:s4+$0x2100]  }
0x54: {  	s21 =	simm.s32 $0x30;
	v4 =	vmul.f32 $1.442695020e+00, v4  }
0x55: {  	s11 =	simm.s32 $0x100;
	v3 =	vadd.f32 v6, v3;
	v1 =	vld [tilespmem:s21+$0x100]  }
.LBB2_3:
0x56: {  	p0 =	sne.s32 s11, $0x1FC0;
	v5 =	vld [tilespmem:s21+$0x900];
	(erf) = vpow2.f32 v4  }
0x57: {  	v4 =	vmul.f32 $2.000000030e-01, v3;
	v6 =	vpop (erf)  }
0x58: {  	v7 =	vld [tilespmem:s21+$0x1100];
	[tilespmem:s4+$0x1900] =	vst v6;
	v2 =	vmul.f32 v6, v2  }
.Ltmp0:
0x59: {  	v3 =	vmax.f32 v3, v4;
	(pc) =	sbr.rel @p0 .LBB2_3-.Ltmp0, $4  }
0x5a: {  	v3 =	vsub.f32 v3, v0;
	[tilespmem:s4+$0x2100] =	vst v2;
	s4 =	smov.u32 s0;
	s0 =	smov.u32 s3;
	s3 =	smov.u32 s21  }
0x5b: {  	v5 =	vadd.f32 v5, v1;
	v2 =	vld [tilespmem:s4+$0x2100]  }
0x5c: {  	s21 =	sshra.s32 s11, $0x2;
	v4 =	vmul.f32 $1.442695020e+00, v3  }
0x5d: {  	s11 =	sadd.s32 $0x40, s11;
	v1 =	vld [tilespmem:s21+$0x100];
	v3 =	vadd.f32 v7, v5  }
0x5e: {  	v5 =	vld [tilespmem:s21+$0x900]  }
0x5f: {  	(erf) = vpow2.f32 v4  }
0x60: {  	v7 =	vld [tilespmem:s21+$0x1100];
	v62 =	vmul.f32 $2.000000030e-01, v3;
	v6 =	vpop (erf)  }
0x61: {  	v2 =	vmul.f32 v6, v2  }
0x62: {  	[tilespmem:s4+$0x1900] =	vst v6;
	v3 =	vmax.f32 v3, v62  }
0x63: {  	v3 =	vsub.f32 v3, v0;
	[tilespmem:s4+$0x2100] =	vst v2;
	v1 =	vadd.f32 v5, v1  }
0x64: {  	v2 =	vld [tilespmem:s0+$0x2100]  }
0x65: {  	v3 =	vmul.f32 $1.442695020e+00, v3;
	v1 =	vadd.f32 v7, v1;
	_ =	sdelay $0x1  }
0x66: {  	(erf) = vpow2.f32 v3;
	v3 =	vmul.f32 $2.000000030e-01, v1  }
0x67: {  	v63 =	vpop (erf)  }
0x68: {  	v2 =	vmul.f32 v63, v2;
	v1 =	vmax.f32 v1, v3  }
0x69: {  	[tilespmem:s0+$0x1900] =	vst v63;
	v1 =	vsub.f32 v1, v0  }
0x6a: {  	[tilespmem:s0+$0x2100] =	vst v2  }
0x6b: {  	v2 =	vld [tilespmem:s3+$0x2100];
	v1 =	vmul.f32 $1.442695020e+00, v1;
	_ =	sdelay $0x2  }
0x6c: {  	(erf) = vpow2.f32 v1  }
0x6d: {  	v1 =	vpop (erf)  }
0x6e: {  	v2 =	vmul.f32 v1, v2  }
0x6f: {  	[tilespmem:s3+$0x1900] =	vst v1  }
0x70: {  	[tilespmem:s3+$0x2100] =	vst v2  }
0x71: {  	v1 =	vld [tilespmem:s21+$0x2100];
	_ =	sdelay $0x3  }
0x72: {  	v2 =	vpop (erf)  }
0x73: {  	v1 =	vmul.f32 v2, v1  }
0x74: {  	[tilespmem:s21+$0x1900] =	vst v2  }
0x75: {  	[tilespmem:s21+$0x2100] =	vst v1  }
0x76: {  	[spmem:s2] =	stream.indirect.scatter.add.f32 [tilespmem:s29], [sflag:$0x2], $0x10, s22, s22, $0xb8;
	[tilespmem:$0x7810] =	vst v63  }
0x77: {  	s31 =	sadd.s32 $0x1, s31;
	_ =	swait.ge [sflag:s19], $0x800  }
0x78: {  	p0 =	sne.s32 s31, $0x4F;
	[sflag:s19] =	ssyncset.done $0x0  }
.Ltmp1:
0x79: {  	[sflag:s19] =	ssyncadd.s32 $0xFFFFF800;
	(pc) =	sbr.rel @p0 .LBB2_2-.Ltmp1, $4  }
0x7a: {  	[spmem:s1] =	stream.indirect.scatter.add.f32 [tilespmem:s25], [sflag:$0x2], $0x10, s22, s22, $0xb8;
	[tilespmem:$0x7810] =	vst v63  }
0x7b: {  	_ =	swait.ge [sflag:s19], $0x800  }
0x7c: {  	[sflag:s19] =	ssyncset.done $0x0  }
0x7d: {  	[sflag:s19] =	ssyncadd.s32 $0xFFFFF800  }
0x7e: {  	[bflag:$0x0] =	sbarrier.arrive $0xFFFF  }
0x7f: {  	[hbm:s15], [sflag:s13] =	dma.local [spmem:s18], $0x4F0  }
0x80: {  	s30 =	sadd.s32 $0x1, s30;
	_ =	swait.ge [sflag:s19], $0x4F0  }
0x81: {  	p0 =	sne.s32 s30, s17;
	[sflag:s19] =	ssyncset.done $0x0  }
.Ltmp2:
0x82: {  	[sflag:s19] =	ssyncadd.s32 $0xFFFFFB10;
	(pc) =	sbr.rel @p0 .LBB2_1-.Ltmp2, $4  }
0x83: {  	[hbm:s16], [sflag:s13] =	dma.local [spmem:s20], $0x4F0  }
0x84: {  	_ =	swait.ge [sflag:s19], $0x4F0  }
0x85: {  	[sflag:s19] =	ssyncset.done $0x0  }
0x86: {  	[sflag:s19] =	ssyncadd.s32 $0xFFFFFB10  }
0x87: {  	_ =	sfence.sel $0x180000  }
0x88: {  	[bflag:$0x0] =	sbarrier.arrive $0xFFFF  }
0x89: {  	_ =	strace $0x9000004D  }
0x8a: {  	s0 =	stileid.u32;
	[bflag:$0x2] =	sbarrier.arrive $0xFFFF  }
0x8b: {  	p0 =	sne.s32 s0, $0x0;
	s0 =	rddreg [dreg:$0x4]  }
0x8c: {  	s0 =	sadd.s32 @!p0 $0x100000, s0  }
0x8d: {  	[sflag:s0] =	ssyncadd.tile.s32 @!p0 $0x1;
	_ =	shalt  }
.Lfunc_end2:
_tile_overlayer_lowered:
.L_overlay_start_2:
0x8e: {  	(tag) =	ssettag $0x2  }
0x8f: {  	s0 =	rddreg [dreg:$0x0];
	s2 =	stileid.u32  }
0x90: {  	s1 =	rddreg [dreg:$0x1];
	p0 =	sne.s32 s2, $0x0  }
0x91: {  	s3 =	rddreg [dreg:$0x2];
	[bflag:$0x3] =	sbarrier.arrive $0xFFFF;
	s2 =	simm.s32 @!p0 $0x1C02  }
0x92: {  	[timem:s3], [sflag:s2] =	dma.local @!p0 [hbm:s0], s1  }
0x93: {  	s0 =	simm.s32 @!p0 $0x2  }
0x94: {  	_ =	swait.ge @!p0 [sflag:s0], s1  }
0x95: {  	s1 =	ssub.s32 @!p0 $0x0, s1;
	[sflag:s0] =	ssyncset.done @!p0 $0x0  }
0x96: {  	[sflag:s0] =	ssyncadd.s32 @!p0 s1  }
0x97: {  	[bflag:$0x3] =	sbarrier.arrive $0xFFFF  }
0x98: {  	_ =	shalt  }

// kernel: kernel.8.cloned.1.call-start
scs
__scs_entry_jumppad:
0x0: {  	(pc) =	sbr.rel $0x88, $3  }
0x1: {  	(tag) =	ssettag $0x0;
	lr =	simm.s32 $0x1  }
0x2: {  	[smem:$0x3F96] =	sst lr;
	_ =	strace $0xD0000000  }
0x3: {  	_ = 	snop  }
0x4: {  	_ = 	snop  }
0x5: {  	_ = 	snop  }
0x6: {  	_ = 	snop  }
0x7: {  	_ = 	snop  }
__scs_overlays_trampoline_lowered:
0x8: {  	[smem:$0x3FA5] =	sst s0  }
0x9: {  	[smem:$0x3FA6] =	sst s1  }
0xa: {  	[smem:$0x3FA7] =	sst s2  }
0xb: {  	[smem:$0x3FA8] =	sst s3  }
0xc: {  	[smem:$0x3FA9] =	sst s4  }
0xd: {  	[smem:$0x3FAA] =	sst s5  }
0xe: {  	[smem:$0x3FAB] =	sst s6  }
0xf: {  	[smem:$0x3FAC] =	sst s7  }
0x10: {  	[smem:$0x3FAD] =	sst s8  }
0x11: {  	[smem:$0x3FAE] =	sst s9;
	s0 =	simm.s32 @!p0 $0x0  }
0x12: {  	s1 =	sld [smem:$0x3F94];
	s0 =	simm.s32 @p0 $0x1  }
0x13: {  	[smem:$0x3FAF] =	sst s0;
	s0 =	simm.s32 @!p1 $0x0  }
0x14: {  	s2 =	sld [smem:$0x3F93];
	s0 =	simm.s32 @p1 $0x1  }
0x15: {  	[smem:$0x3FB0] =	sst s0;
	s0 =	simm.s32 @!p2 $0x0  }
0x16: {  	s3 =	sld [smem:$0x3FDB];
	s0 =	simm.s32 @p2 $0x1  }
0x17: {  	s4 =	simm.s32 $0x1BF5;
	[smem:$0x3FB2] =	sst s0  }
0x18: {  	s0 =	sld [smem:$0x3F95];
	_ =	swait.ge [sflag:s4], $0x0  }
0x19: {  	s7 =	sld [smem:$0x3F96]  }
0x1a: {  	s8 =	sadd.s32 $0xFFFFE003, lr  }
0x1b: {  	s9 =	sadd.s32 $0xFFFFFEF7, lr;
	s5 =	simm.s32 $0xFFFFFFFF;
	p2 =	slt.u32 s8, $0xFFFFF086  }
0x1c: {  	p1 =	slt.u32 s9, $0xF7A;
	s5 =	simm.s32 @!p2 $0x0  }
0x1d: {  	s5 =	simm.s32 @p1 $0x1;
	p0 =	seq.s32 s7, s2  }
0x1e: {  	s7 =	smul.u32 @!p0 $0xF7A, s2;
	p2 =	seq.s32 @!p0 s5, $0x0  }
0x1f: {  	s9 =	smul.u32 $0xF7A, s1;
	s8 =	simm.s32 @!p0 $0x1BF5;
	p2 =	por !p2, p0  }
0x20: {  	[sflag:s8] =	ssyncset.s32 @!p0 $0xFFFFF086;
	s6 =	sadd.s32 @!p0 s3, s7;
	s7 =	simm.s32 @!p0 $0x108  }
0x21: {  	s3 =	sadd.s32 s3, s9;
	s6 =	sadd.s32 @!p0 $0x88, s6;
	s7 =	simm.s32 @p2 $0x1082  }
0x22: {  	[simem:s7], [sflag:s8] =	dma.local @!p0 [hbm:s6], $0xF7A  }
0x23: {  	s9 =	sor.u32 $0xD0000000, s2;
	s6 =	simm.s32 $0x108;
	_ =	swait.ge @!p0 [sflag:s8], $0x0  }
0x24: {  	s3 =	sadd.s32 $0x88, s3;
	s6 =	simm.s32 @!p1 $0x1082;
	[sflag:s4] =	ssyncset.s32 $0xFFFFF086  }
0x25: {  	[simem:s6], [sflag:s4] =	dma.local [hbm:s3], $0xF7A  }
0x26: {  	[smem:$0x3F96] =	sst s1;
	(tag) =	ssettag s2;
	_ =	strace s9  }
0x27: {  	s1 =	sld [smem:$0x3FA6]  }
0x28: {  	s2 =	sld [smem:$0x3FA7]  }
0x29: {  	s4 =	sld [smem:$0x3FA9]  }
0x2a: {  	p0 =	seq.s32 s5, $0x0;
	s5 =	sld [smem:$0x3FAA]  }
0x2b: {  	s6 =	sld [smem:$0x3FAB]  }
0x2c: {  	s7 =	sld [smem:$0x3FAC]  }
0x2d: {  	s3 =	simm.s32 $0x108;
	s8 =	sld [smem:$0x3FAD]  }
0x2e: {  	s3 =	simm.s32 @!p0 $0x1082;
	s9 =	sld [smem:$0x3FAE]  }
0x2f: {  	lr =	sadd.s32 s0, s3;
	s0 =	sld [smem:$0x3FA5]  }
0x30: {  	s3 =	sld [smem:$0x3FA8]  }
0x31: {  	[smem:$0x3FB1] =	sst s10  }
0x32: {  	s10 =	sld [smem:$0x3FAF];
	_ =	sdelay $0x3  }
0x33: {  	p0 =	seq.s32 s10, $0x1;
	s10 =	sld [smem:$0x3FB1];
	_ =	sdelay $0x3  }
0x34: {  	[smem:$0x3FB1] =	sst s10  }
0x35: {  	s10 =	sld [smem:$0x3FB0];
	_ =	sdelay $0x3  }
0x36: {  	p1 =	seq.s32 s10, $0x1;
	s10 =	sld [smem:$0x3FB1];
	_ =	sdelay $0x3  }
0x37: {  	[smem:$0x3FB1] =	sst s10  }
0x38: {  	s10 =	sld [smem:$0x3FB2]  }
0x39: {  	_ = 	snop;
	(pc) =	sbr.ind lr, $3  }
0x3a: {  	_ = 	snop  }
0x3b: {  	_ = 	snop  }
0x3c: {  	p2 =	seq.s32 s10, $0x1;
	s10 =	sld [smem:$0x3FB1]  }
0x3d: {  	_ =	shalt  }
0x3e: {  	_ =	shalt  }
0x3f: {  	_ =	shalt  }
0x40: {  	_ =	shalt  }
0x41: {  	_ =	shalt  }
0x42: {  	_ =	shalt  }
0x43: {  	_ =	shalt  }
0x44: {  	_ =	shalt  }
0x45: {  	_ =	shalt  }
0x46: {  	_ =	shalt  }
0x47: {  	_ =	shalt  }
0x48: {  	_ =	shalt  }
0x49: {  	_ =	shalt  }
0x4a: {  	_ =	shalt  }
0x4b: {  	_ =	shalt  }
0x4c: {  	_ =	shalt  }
0x4d: {  	_ =	shalt  }
0x4e: {  	_ =	shalt  }
0x4f: {  	_ =	shalt  }
0x50: {  	_ =	shalt  }
0x51: {  	_ =	shalt  }
0x52: {  	_ =	shalt  }
0x53: {  	_ =	shalt  }
0x54: {  	_ =	shalt  }
0x55: {  	_ =	shalt  }
0x56: {  	_ =	shalt  }
0x57: {  	_ =	shalt  }
0x58: {  	_ =	shalt  }
0x59: {  	_ =	shalt  }
0x5a: {  	_ =	shalt  }
0x5b: {  	_ =	shalt  }
0x5c: {  	_ =	shalt  }
0x5d: {  	_ =	shalt  }
0x5e: {  	_ =	shalt  }
0x5f: {  	_ =	shalt  }
0x60: {  	_ =	shalt  }
0x61: {  	_ =	shalt  }
0x62: {  	_ =	shalt  }
0x63: {  	_ =	shalt  }
0x64: {  	_ =	shalt  }
0x65: {  	_ =	shalt  }
0x66: {  	_ =	shalt  }
0x67: {  	_ =	shalt  }
0x68: {  	_ =	shalt  }
0x69: {  	_ =	shalt  }
0x6a: {  	_ =	shalt  }
0x6b: {  	_ =	shalt  }
0x6c: {  	_ =	shalt  }
0x6d: {  	_ =	shalt  }
0x6e: {  	_ =	shalt  }
0x6f: {  	_ =	shalt  }
0x70: {  	_ =	shalt  }
0x71: {  	_ =	shalt  }
0x72: {  	_ =	shalt  }
0x73: {  	_ =	shalt  }
0x74: {  	_ =	shalt  }
0x75: {  	_ =	shalt  }
0x76: {  	_ =	shalt  }
0x77: {  	_ =	shalt  }
0x78: {  	_ =	shalt  }
0x79: {  	_ =	shalt  }
0x7a: {  	_ =	shalt  }
0x7b: {  	_ =	shalt  }
0x7c: {  	_ =	shalt  }
0x7d: {  	_ =	shalt  }
0x7e: {  	_ =	shalt  }
0x7f: {  	_ =	shalt  }
0x80: {  	_ =	shalt  }
0x81: {  	_ =	shalt  }
0x82: {  	_ =	shalt  }
0x83: {  	_ =	shalt  }
0x84: {  	_ =	shalt  }
0x85: {  	_ =	shalt  }
0x86: {  	_ =	shalt  }
0x87: {  	_ =	shalt  }
.Lfunc_end0:
.L_simem_size_0:
called_computation.1_lowered:
.L_overlay_start_0:
0x88: {  	s2 =	sld [smem:$0x3FD9]  }
0x89: {  	s3 =	sld [smem:$0x3FFE];
	_ =	sdelay $0x1  }
0x8a: {  	s1 =	srdreg.scid  }
0x8b: {  	s0 =	sand.u32 $0x1, s1  }
0x8c: {  	s17 =	sshll.u32 s0, $0xA;
	s2 =	sadd.s32 s3, s2  }
0x8d: {  	s2 =	sadd.s32 s2, s17  }
0x8e: {  	[smem:$0x3FBD] =	sst s2  }
0x8f: {  	_ = 	snop  }
0x90: {  	s2 =	sld [smem:$0x3FD0];
	(tm) =	ssettm $0x1  }
0x91: {  	s18 =	sld [smem:$0x3FFB];
	_ =	sdelay $0x3  }
0x92: {  	_ =	strace s18  }
0x93: {  	s3 =	sld [smem:$0x3FFC];
	_ =	sdelay $0x3  }
0x94: {  	_ =	strace s3  }
0x95: {  	s3 =	sld [smem:$0x3FFD];
	_ =	sdelay $0x3  }
0x96: {  	_ =	strace s3  }
0x97: {  	_ =	strace $0x8FFFFFFF  }
0x98: {  	s19 =	sld [smem:$0x3FDB];
	_ =	sdelay $0x1  }
0x99: {  	s4 =	simm.s32 $_scs_section_size  }
0x9a: {  	s5 =	simm.s32 $_size__tile_overlayer_lowered;
	s6 =	simm.s32 $_tile_overlayer_lowered  }
0x9b: {  	s22 =	simm.s32 $0x1BFF;
	s21 =	sshll.u32 s6, $0x1;
	s3 =	sadd.s32 s4, s19  }
0x9c: {  	s7 =	simm.s32 $0x0;
	s20 =	sshll.u32 s5, $0x1;
	s5 =	sadd.s32 s21, s3  }
0x9d: {  	[timem:s7], [sflag:s22] =	dma.local [hbm:s5], s20  }
0x9e: {  	_ =	swait.ge [sflag:s22], s20  }
0x9f: {  	s4 =	ssub.s32 $0x0, s20;
	[sflag:s22] =	ssyncset.done $0x0  }
0xa0: {  	[sflag:s22] =	ssyncadd.s32 s4;
	_ =	sdelay $0x1  }
0xa1: {  	s23 =	simm.s32 $0x1B8B  }
0xa2: {  	_ =	swait.ge [sflag:s23], $0x1  }
0xa3: {  	[sflag:s23] =	ssyncset.done $0x0  }
0xa4: {  	s25 =	simm.s32 $0x1B8E;
	s24 =	sld [smem:$0x3FFE];
	[sflag:s23] =	ssyncadd.s32 $0xFFFFFFFF  }
0xa5: {  	s26 =	simm.s32 $execute0_lowered;
	[smem:$0x3FD2] =	sst s25  }
0xa6: {  	s5 =	sshll.u32 s26, $0x1;
	_ =	strace $0x80000049;
	[dreg:$0x1] =	wrdreg $0xFFFFFFFF  }
0xa7: {  	s28 =	simm.s32 $_size_execute0_lowered;
	s3 =	sadd.s32 s3, s5;
	[dreg:$0x0] =	wrdreg $0x0  }
0xa8: {  	s5 =	sshll.u32 s28, $0x1;
	[dreg:$0x2] =	wrdreg s3  }
0xa9: {  	[dreg:$0x3] =	wrdreg s5  }
0xaa: {  	[dreg:$0x4] =	wrdreg $0xC0  }
0xab: {  	_ =	task [dreg:s7], $0x5FFFF  }
0xac: {  	[dreg:$0x1] =	wrdreg $0xFFFFFFFF  }
0xad: {  	[dreg:$0x0] =	wrdreg $0x60  }
0xae: {  	[dreg:$0x2] =	wrdreg s24  }
0xaf: {  	[dreg:$0x3] =	wrdreg s2  }
0xb0: {  	[dreg:$0x4] =	wrdreg $0xA1400  }
0xb1: {  	[dreg:$0x5] =	wrdreg $0x13F400  }
0xb2: {  	[dreg:$0x6] =	wrdreg $0x9  }
0xb3: {  	_ =	task.clear_ibuf [dreg:s7], $0x7FFFF;
	_ =	strace $0x90000049  }
0xb4: {  	s29 =	simm.s32 $0x9;
	_ =	strace $0x8000004B  }
0xb5: {  	_ =	swait.ge [sflag:s29], $0x1  }
0xb6: {  	[sflag:s29] =	ssyncadd.s32 $0xFFFFFFFF  }
0xb7: {  	_ =	strace $0x9000004B  }
0xb8: {  	_ =	sfence  }
0xb9: {  	s30 =	sld [smem:$0x0];
	_ =	sdelay $0x2  }
0xba: {  	s31 =	sshll.u32 s1, $0xD;
	s1 =	sshrl.u32 s1, $0x2  }
0xbb: {  	s3 =	sand.u32 $0x4000, s31;
	s1 =	sadd.s32 s1, s30  }
0xbc: {  	s0 =	sor.u32 s3, s0;
	s1 =	sshll.u32 s1, $0x11  }
0xbd: {  	s0 =	sor.u32 s1, s0  }
0xbe: {  	s0 =	sadd.s32 $0x8F2B, s0  }
0xbf: {  	[sflag:s0] =	ssyncadd.remote.s32 $0x1  }
0xc0: {  	_ =	sfence.sel $0xFFFF  }
0xc1: {  	[dreg:$0x0] =	wrdreg $0xFFFFFFFF;
	(pc) =	sbr.abs _section_cstart, $3  }
0xc2: {  	[dreg:$0x1] =	wrdreg $0xFFFFFFFF  }
0xc3: {  	_ =	task.clear_ibuf [dreg:s7], $0x2FFFF;
	_ =	strace $0x9FFFFFFF  }
0xc4: {  	(tm) =	ssettm $0x7FFFFFFF  }
0xc5: {  	_ =	shalt  }
tec
execute0_lowered:
.L_overlay_start_1:
0x0: {  	(tag) =	ssettag $0x1  }
0x1: {  	s0 =	rddreg [dreg:$0x0]  }
0x2: {  	s2 =	rddreg [dreg:$0x2]  }
0x3: {  	s3 =	rddreg [dreg:$0x3]  }
0x4: {  	s1 =	simm.s32 $0x0;
	s4 =	stileid.u32;
	s26 =	srdreg.scid  }
0x5: {  	s19 =	simm.s32 $0x2;
	s21 =	simm.s32 $0xA100;
	s22 =	simm.s32 $0x80  }
0x6: {  	s23 =	simm.s32 $0x100;
	s24 =	simm.s32 $0x2100;
	s25 =	simm.s32 $0x8100  }
0x7: {  	s28 =	simm.s32 $0x1;
	s29 =	simm.s32 $0x6100;
	[smem:$0x7FF] =	sst s1  }
0x8: {  	s30 =	simm.s32 $0x0;
	s6 =	sadd.s32 $0x592800, s0;
	s7 =	sadd.s32 $0x59C600, s0  }
0x9: {  	s8 =	sadd.s32 $0x5A6400, s0;
	s5 =	smul.u32 $0x9E00, s4;
	s9 =	sadd.s32 $0x5B9E00, s0  }
0xa: {  	s1 =	sand.u32 $0x1, s26;
	s10 =	sadd.s32 $0x31A800, s0;
	s11 =	sadd.s32 $0x5CD800, s0  }
0xb: {  	s31 =	sshll.u32 s4, $0x6;
	s26 =	simm.s32 $0x4100;
	_ =	strace $0x8000004A  }
0xc: {  	s12 =	smul.u32 $0x9E000, s1;
	s14 =	ssub.s32 $0x2, s1;
	s1 =	sshll.u32 s1, $0x4  }
0xd: {  	s13 =	sshrl.u32 s5, $0x3;
	s15 =	sshrl.u32 s14, $0x1;
	s1 =	sor.u32 s4, s1  }
0xe: {  	s18 =	sadd.s32 s5, s2;
	s13 =	sadd.s32 s13, s0;
	s12 =	sadd.s32 s5, s12  }
0xf: {  	s17 =	ssub.s32 s14, s15;
	s5 =	sadd.s32 s5, s3;
	s14 =	smul.u32 $0x2780, s1  }
0x10: {  	s18 =	sshrl.u32 s18, $0x3;
	s12 =	sshrl.u32 s12, $0x3;
	s17 =	smax.u32 s17, $0x1  }
0x11: {  	s20 =	sshrl.u32 s5, $0x3;
	s0 =	sadd.s32 s12, s0;
	s12 =	sadd.s32 $0x4000, s13  }
0x12: {  	s13 =	sor.u32 $0x1C02, s31;
	s15 =	sadd.s32 $0x3F400, s0;
	s16 =	sadd.s32 $0x17C00, s0  }
.LBB2_1:
0x13: {  	[spmem:s18], [sflag:s13] =	dma.local [hbm:s12], $0x13C0  }
0x14: {  	_ =	swait.ge [sflag:s19], $0x13C0  }
0x15: {  	[sflag:s19] =	ssyncset.done $0x0  }
0x16: {  	[sflag:s19] =	ssyncadd.s32 $0xFFFFEC40  }
0x17: {  	[spmem:s20], [sflag:s13] =	dma.local [hbm:s12], $0x13C0  }
0x18: {  	_ =	swait.ge [sflag:s19], $0x13C0  }
0x19: {  	[sflag:s19] =	ssyncset.done $0x0  }
0x1a: {  	[sflag:s19] =	ssyncadd.s32 $0xFFFFEC40  }
0x1b: {  	s1 =	simm.s32 $0x0;
	s0 =	rddreg [dreg:$0x1]  }
0x1c: {  	[tilespmem:s21], [sflag:$0x2] =	stream.linear.gather [hbm4b:s0+s1], $0x40, $0x38;
	[tilespmem:$0x1DD40] =	vst v63  }
0x1d: {  	_ =	swait.ge [sflag:s19], $0x40  }
0x1e: {  	[sflag:s19] =	ssyncset.done $0x0  }
0x1f: {  	[sflag:s19] =	ssyncadd.s32 $0xFFFFFFC0  }
0x20: {  	[bflag:$0x0] =	sbarrier.arrive $0xFFFF  }
0x21: {  	v0 =	vld [tilespmem:$0xA100]  }
0x22: {  	v1 =	vld [tilespmem:$0xA110]  }
0x23: {  	v2 =	vld [tilespmem:$0xA120]  }
0x24: {  	s31 =	simm.s32 $0x0;
	v3 =	vld [tilespmem:$0xA130]  }
.LBB2_2:
0x25: {  	s0 =	sshll.u32 s31, $0x7  }
0x26: {  	s0 =	sadd.s32 s14, s0  }
0x27: {  	s1 =	sshrl.u32 s0, $0x3  }
0x28: {  	s4 =	simm.s32 $0x0;
	s5 =	sadd.s32 s6, s1  }
0x29: {  	[tilespmem:s4], [sflag:$0x2] =	stream.linear.gather [hbm4b:s5+s4], $0x80, $0x38;
	[tilespmem:$0x1DD40] =	vst v63  }
0x2a: {  	_ =	swait.ge [sflag:s19], $0x80  }
0x2b: {  	[sflag:s19] =	ssyncset.done $0x0  }
0x2c: {  	s1 =	sadd.s32 s7, s1;
	[sflag:s19] =	ssyncadd.s32 $0xFFFFFF80  }
0x2d: {  	[tilespmem:s22], [sflag:$0x2] =	stream.linear.gather [hbm4b:s1+s4], $0x80, $0x38;
	[tilespmem:$0x1DD40] =	vst v63  }
0x2e: {  	_ =	swait.ge [sflag:s19], $0x80  }
0x2f: {  	[sflag:s19] =	ssyncset.done $0x0  }
0x30: {  	[sflag:s19] =	ssyncadd.s32 $0xFFFFFF80  }
0x31: {  	[tilespmem:s23], [sflag:$0x1] =	stream.indirect.gather [hbm4b:s9+s22], $0x40, s4, s22, $0xb8;
	[tilespmem:$0x1DD40] =	vst v63  }
0x32: {  	_ = 	snop  }
0x33: {  	[tilespmem:s24], [sflag:$0x1] =	stream.indirect.gather [hbm4b:s8+s22], $0x40, s22, s22, $0xb8;
	[tilespmem:$0x1DD40] =	vst v63  }
0x34: {  	s0 =	sshll.u32 s0, $0x3  }
0x35: {  	[tilespmem:s25], [sflag:$0x1] =	stream.indirect.gather [hbm4b:s11+s22], $0x40, s4, s22, $0xb8;
	[tilespmem:$0x1DD40] =	vst v63  }
0x36: {  	s0 =	sadd.s32 s10, s0  }
0x37: {  	[tilespmem:s26], [sflag:$0x1] =	stream.linear.gather [hbm4b:s0+s4], $0x2000, $0x38;
	[tilespmem:$0x1DD40] =	vst v63  }
0x38: {  	_ =	swait.ge [sflag:s28], $0x2000  }
0x39: {  	[sflag:s28] =	ssyncset.done $0x0  }
0x3a: {  	[sflag:s28] =	ssyncadd.s32 $0xFFFFE000  }
0x3b: {  	_ =	swait.ge [sflag:s28], $0x2000  }
0x3c: {  	[sflag:s28] =	ssyncset.done $0x0  }
0x3d: {  	[sflag:s28] =	ssyncadd.s32 $0xFFFFE000  }
0x3e: {  	_ =	swait.ge [sflag:s28], $0x2000  }
0x3f: {  	[sflag:s28] =	ssyncset.done $0x0  }
0x40: {  	[sflag:s28] =	ssyncadd.s32 $0xFFFFE000  }
0x41: {  	_ =	swait.ge [sflag:s28], $0x2000  }
0x42: {  	[sflag:s28] =	ssyncset.done $0x0  }
0x43: {  	s5 =	simm.s32 $0x0;
	[sflag:s28] =	ssyncadd.s32 $0xFFFFE000  }
0x44: {  	v4 =	vld [tilespmem:s5+$0x4100]  }
0x45: {  	v5 =	vld [tilespmem:s5+$0x100]  }
0x46: {  	v6 =	vld [tilespmem:s5+$0x2100]  }
0x47: {  	v7 =	vld [tilespmem:s5+$0x110]  }
0x48: {  	v8 =	vld [tilespmem:s5+$0x2110]  }
0x49: {  	v9 =	vld [tilespmem:s5+$0x120]  }
0x4a: {  	v10 =	vld [tilespmem:s5+$0x2120]  }
0x4b: {  	v11 =	vld [tilespmem:s5+$0x130]  }
0x4c: {  	v12 =	vld [tilespmem:s5+$0x2130]  }
0x4d: {  	v13 =	vld [tilespmem:s5+$0x4110]  }
0x4e: {  	v14 =	vld [tilespmem:s5+$0x4120]  }
0x4f: {  	v5 =	vadd.f32 v6, v5;
	v6 =	vld [tilespmem:s5+$0x4130]  }
0x50: {  	v7 =	vadd.f32 v8, v7  }
0x51: {  	v8 =	vadd.f32 v10, v9;
	v9 =	vadd.f32 v4, v5  }
0x52: {  	s0 =	simm.s32 $0x40;
	v10 =	vadd.f32 v13, v7;
	v7 =	vadd.f32 v12, v11  }
0x53: {  	v11 =	vadd.f32 v14, v8;
	v4 =	vld [tilespmem:s0+$0x4100];
	v8 =	vmul.f32 $2.000000030e-01, v9  }
0x54: {  	v5 =	vld [tilespmem:s0+$0x100];
	v12 =	vmul.f32 $2.000000030e-01, v10;
	v13 =	vadd.f32 v6, v7  }
0x55: {  	v14 =	vmul.f32 $2.000000030e-01, v11;
	v6 =	vld [tilespmem:s0+$0x2100];
	v8 =	vmax.f32 v9, v8  }
0x56: {  	v7 =	vld [tilespmem:s0+$0x110];
	v9 =	vmax.f32 v10, v12;
	v15 =	vsub.f32 v8, v0;
	v10 =	vmul.f32 $2.000000030e-01, v13  }
0x57: {  	v11 =	vmax.f32 v11, v14;
	v8 =	vld [tilespmem:s0+$0x2110];
	v12 =	vsub.f32 v9, v1  }
0x58: {  	v9 =	vld [tilespmem:s0+$0x120];
	v14 =	vmul.f32 $1.442695020e+00, v15;
	v15 =	vsub.f32 v11, v2;
	v11 =	vmax.f32 v13, v10  }
0x59: {  	v10 =	vld [tilespmem:s0+$0x2120];
	v13 =	vmul.f32 $1.442695020e+00, v12;
	v16 =	vsub.f32 v11, v3  }
0x5a: {  	v12 =	vld [tilespmem:s0+$0x2130];
	v15 =	vmul.f32 $1.442695020e+00, v15;
	(erf) = vpow2.f32 v14  }
0x5b: {  	v11 =	vld [tilespmem:s0+$0x130];
	(erf) = vpow2.f32 v13;
	v14 =	vmul.f32 $1.442695020e+00, v16  }
0x5c: {  	s1 =	simm.s32 $0x200;
	v13 =	vld [tilespmem:s0+$0x4110];
	(erf) = vpow2.f32 v15  }
.LBB2_3:
0x5d: {  	p0 =	sne.s32 s1, $0x7F00;
	v15 =	vld [tilespmem:s0+$0x4120];
	(erf) = vpow2.f32 v14  }
0x5e: {  	v14 =	vld [tilespmem:s0+$0x4130]  }
0x5f: {  	v5 =	vadd.f32 v6, v5;
	v6 =	vadd.f32 v8, v7;
	v7 =	vld [tilespmem:s5+$0x8100]  }
0x60: {  	v8 =	vadd.f32 v10, v9;
	v9 =	vadd.f32 v12, v11;
	v10 =	vld [tilespmem:s5+$0x8110]  }
0x61: {  	v11 =	vadd.f32 v4, v5;
	v12 =	vadd.f32 v13, v6;
	v13 =	vld [tilespmem:s5+$0x8120]  }
0x62: {  	s4 =	sshra.s32 s1, $0x2;
	v15 =	vadd.f32 v15, v8;
	v16 =	vld [tilespmem:s5+$0x8130]  }
0x63: {  	v8 =	vmul.f32 $2.000000030e-01, v11;
	v4 =	vld [tilespmem:s4+$0x4100];
	v21 =	vmul.f32 $2.000000030e-01, v12;
	v14 =	vadd.f32 v14, v9;
	v6 =	vpop (erf)  }
0x64: {  	v5 =	vld [tilespmem:s4+$0x100];
	v9 =	vmul.f32 $2.000000030e-01, v15;
	[tilespmem:s5+$0x6100] =	vst v6;
	v18 =	vmul.f32 v6, v7;
	v7 =	vpop (erf)  }
0x65: {  	v8 =	vmax.f32 v11, v8;
	v6 =	vld [tilespmem:s4+$0x2100];
	v11 =	vmul.f32 $2.000000030e-01, v14;
	[tilespmem:s5+$0x6110] =	vst v7;
	v10 =	vmul.f32 v7, v10;
	v19 =	vpop (erf)  }
0x66: {  	v20 =	vsub.f32 v8, v0;
	v12 =	vmax.f32 v12, v21;
	v7 =	vld [tilespmem:s4+$0x110];
	[tilespmem:s5+$0x8100] =	vst v18;
	v13 =	vmul.f32 v19, v13;
	v17 =	vpop (erf)  }
0x67: {  	v12 =	vsub.f32 v12, v1;
	v15 =	vmax.f32 v15, v9;
	v8 =	vld [tilespmem:s4+$0x2110];
	[tilespmem:s5+$0x8110] =	vst v10;
	v16 =	vmul.f32 v17, v16  }
.Ltmp0:
0x68: {  	v18 =	vmul.f32 $1.442695020e+00, v20;
	v15 =	vsub.f32 v15, v2;
	v11 =	vmax.f32 v14, v11;
	v9 =	vld [tilespmem:s4+$0x120];
	[tilespmem:s5+$0x8120] =	vst v13;
	(pc) =	sbr.rel @p0 .LBB2_3-.Ltmp0, $4  }
0x69: {  	v13 =	vmul.f32 $1.442695020e+00, v12;
	v14 =	vsub.f32 v11, v3;
	v10 =	vld [tilespmem:s4+$0x2120];
	[tilespmem:s5+$0x8130] =	vst v16  }
0x6a: {  	v15 =	vmul.f32 $1.442695020e+00, v15;
	v11 =	vld [tilespmem:s4+$0x130];
	(erf) = vpow2.f32 v18;
	[tilespmem:s5+$0x6120] =	vst v19  }
0x6b: {  	v14 =	vmul.f32 $1.442695020e+00, v14;
	v12 =	vld [tilespmem:s4+$0x2130];
	(erf) = vpow2.f32 v13;
	[tilespmem:s5+$0x6130] =	vst v17;
	s5 =	smov.u32 s0;
	s0 =	smov.u32 s4  }
0x6c: {  	s1 =	sadd.s32 $0x100, s1;
	v13 =	vld [tilespmem:s0+$0x4110];
	(erf) = vpow2.f32 v15  }
0x6d: {  	_ = 	snop  }
0x6e: {  	v15 =	vld [tilespmem:s0+$0x4120];
	v5 =	vadd.f32 v6, v5  }
0x6f: {  	v16 =	vld [tilespmem:s0+$0x4130];
	v46 =	vadd.f32 v8, v7  }
0x70: {  	v4 =	vadd.f32 v4, v5  }
0x71: {  	(erf) = vpow2.f32 v14;
	v47 =	vld [tilespmem:s5+$0x8100];
	v48 =	vadd.f32 v10, v9;
	v5 =	vadd.f32 v13, v46  }
0x72: {  	v49 =	vadd.f32 v12, v11;
	v52 =	vmul.f32 $2.000000030e-01, v4  }
0x73: {  	v50 =	vld [tilespmem:s5+$0x8110];
	v8 =	vadd.f32 v15, v48;
	v13 =	vmul.f32 $2.000000030e-01, v5  }
0x74: {  	v51 =	vld [tilespmem:s5+$0x8120];
	v9 =	vadd.f32 v16, v49;
	v4 =	vmax.f32 v4, v52  }
0x75: {  	v54 =	vpop (erf);
	v15 =	vmul.f32 $2.000000030e-01, v8;
	v4 =	vsub.f32 v4, v0;
	v5 =	vmax.f32 v5, v13  }
0x76: {  	v53 =	vld [tilespmem:s5+$0x8130];
	v7 =	vmul.f32 v54, v47;
	v55 =	vpop (erf);
	[tilespmem:s5+$0x6100] =	vst v54;
	v5 =	vsub.f32 v5, v1  }
0x77: {  	v56 =	vmul.f32 $2.000000030e-01, v9;
	[tilespmem:s5+$0x6110] =	vst v55;
	v8 =	vmax.f32 v8, v15;
	v4 =	vmul.f32 $1.442695020e+00, v4  }
0x78: {  	v10 =	vmul.f32 v55, v50;
	v57 =	vpop (erf);
	[tilespmem:s5+$0x8100] =	vst v7;
	v8 =	vsub.f32 v8, v2;
	v5 =	vmul.f32 $1.442695020e+00, v5  }
0x79: {  	v6 =	vmul.f32 v57, v51;
	v9 =	vmax.f32 v9, v56;
	[tilespmem:s5+$0x6120] =	vst v57;
	(erf) = vpow2.f32 v4  }
0x7a: {  	v58 =	vpop (erf);
	v9 =	vsub.f32 v9, v3;
	[tilespmem:s5+$0x8110] =	vst v10;
	v8 =	vmul.f32 $1.442695020e+00, v8;
	(erf) = vpow2.f32 v5  }
0x7b: {  	v59 =	vmul.f32 v58, v53;
	[tilespmem:s5+$0x6130] =	vst v58  }
0x7c: {  	[tilespmem:s5+$0x8120] =	vst v6;
	v4 =	vmul.f32 $1.442695020e+00, v9;
	(erf) = vpow2.f32 v8  }
0x7d: {  	[tilespmem:s5+$0x8130] =	vst v59  }
0x7e: {  	(erf) = vpow2.f32 v4;
	v4 =	vld [tilespmem:s0+$0x8100];
	_ =	sdelay $0x1  }
0x7f: {  	v5 =	vld [tilespmem:s0+$0x8110];
	_ =	sdelay $0x1  }
0x80: {  	v6 =	vld [tilespmem:s0+$0x8120];
	v60 =	vpop (erf)  }
0x81: {  	v7 =	vld [tilespmem:s0+$0x8130];
	[tilespmem:s0+$0x6100] =	vst v60;
	v4 =	vmul.f32 v60, v4;
	v61 =	vpop (erf)  }
0x82: {  	[tilespmem:s0+$0x6110] =	vst v61  }
0x83: {  	v5 =	vmul.f32 v61, v5;
	v62 =	vpop (erf);
	[tilespmem:s0+$0x8100] =	vst v4  }
0x84: {  	[tilespmem:s0+$0x6120] =	vst v62  }
0x85: {  	v4 =	vmul.f32 v62, v6;
	v63 =	vpop (erf);
	[tilespmem:s0+$0x8110] =	vst v5  }
0x86: {  	v5 =	vmul.f32 v63, v7;
	[tilespmem:s0+$0x6130] =	vst v63  }
0x87: {  	[tilespmem:s0+$0x8120] =	vst v4  }
0x88: {  	[tilespmem:s0+$0x8130] =	vst v5  }
0x89: {  	[spmem:s3] =	stream.indirect.scatter.add.f32 [tilespmem:s29], [sflag:$0x2], $0x40, s22, s22, $0xb8;
	[tilespmem:$0x1DD40] =	vst v63  }
0x8a: {  	s31 =	sadd.s32 $0x1, s31;
	_ =	swait.ge [sflag:s19], $0x2000  }
0x8b: {  	p0 =	sne.s32 s31, $0x4F;
	[sflag:s19] =	ssyncset.done $0x0  }
.Ltmp1:
0x8c: {  	[sflag:s19] =	ssyncadd.s32 $0xFFFFE000;
	(pc) =	sbr.rel @p0 .LBB2_2-.Ltmp1, $4  }
0x8d: {  	[spmem:s2] =	stream.indirect.scatter.add.f32 [tilespmem:s25], [sflag:$0x2], $0x40, s22, s22, $0xb8;
	[tilespmem:$0x1DD40] =	vst v63  }
0x8e: {  	_ =	swait.ge [sflag:s19], $0x2000  }
0x8f: {  	[sflag:s19] =	ssyncset.done $0x0  }
0x90: {  	[sflag:s19] =	ssyncadd.s32 $0xFFFFE000  }
0x91: {  	[bflag:$0x0] =	sbarrier.arrive $0xFFFF  }
0x92: {  	[hbm:s15], [sflag:s13] =	dma.local [spmem:s18], $0x13C0  }
0x93: {  	s30 =	sadd.s32 $0x1, s30;
	_ =	swait.ge [sflag:s19], $0x13C0  }
0x94: {  	p0 =	sne.s32 s30, s17;
	[sflag:s19] =	ssyncset.done $0x0  }
.Ltmp2:
0x95: {  	[sflag:s19] =	ssyncadd.s32 $0xFFFFEC40;
	(pc) =	sbr.rel @p0 .LBB2_1-.Ltmp2, $4  }
0x96: {  	[hbm:s16], [sflag:s13] =	dma.local [spmem:s20], $0x13C0  }
0x97: {  	_ =	swait.ge [sflag:s19], $0x13C0  }
0x98: {  	[sflag:s19] =	ssyncset.done $0x0  }
0x99: {  	[sflag:s19] =	ssyncadd.s32 $0xFFFFEC40  }
0x9a: {  	_ =	sfence.sel $0x180000  }
0x9b: {  	[bflag:$0x0] =	sbarrier.arrive $0xFFFF  }
0x9c: {  	_ =	strace $0x9000004A  }
0x9d: {  	s0 =	stileid.u32;
	[bflag:$0x2] =	sbarrier.arrive $0xFFFF  }
0x9e: {  	p0 =	sne.s32 s0, $0x0;
	s0 =	rddreg [dreg:$0x4]  }
0x9f: {  	s0 =	sadd.s32 @!p0 $0x100000, s0  }
0xa0: {  	[sflag:s0] =	ssyncadd.tile.s32 @!p0 $0x1;
	_ =	shalt  }
.Lfunc_end2:
_tile_overlayer_lowered:
.L_overlay_start_2:
0xa1: {  	(tag) =	ssettag $0x2  }
0xa2: {  	s0 =	rddreg [dreg:$0x0];
	s2 =	stileid.u32  }
0xa3: {  	s1 =	rddreg [dreg:$0x1];
	p0 =	sne.s32 s2, $0x0  }
0xa4: {  	s3 =	rddreg [dreg:$0x2];
	[bflag:$0x3] =	sbarrier.arrive $0xFFFF;
	s2 =	simm.s32 @!p0 $0x1C02  }
0xa5: {  	[timem:s3], [sflag:s2] =	dma.local @!p0 [hbm:s0], s1  }
0xa6: {  	s0 =	simm.s32 @!p0 $0x2  }
0xa7: {  	_ =	swait.ge @!p0 [sflag:s0], s1  }
0xa8: {  	s1 =	ssub.s32 @!p0 $0x0, s1;
	[sflag:s0] =	ssyncset.done @!p0 $0x0  }
0xa9: {  	[sflag:s0] =	ssyncadd.s32 @!p0 s1  }
0xaa: {  	[bflag:$0x3] =	sbarrier.arrive $0xFFFF  }
0xab: {  	_ =	shalt  }

// kernel: sparse-core-data-format-call.cloned.1.call-start
scs
called_computation_lowered:
.L_overlay_start_0:
0x0: {  	s1 =	sld [smem:$0x3FD9]  }
0x1: {  	s2 =	sld [smem:$0x3FFE];
	_ =	sdelay $0x1  }
0x2: {  	s3 =	srdreg.scid  }
0x3: {  	s0 =	sand.u32 $0x1, s3  }
0x4: {  	s17 =	sshll.u32 s0, $0xA;
	s1 =	sadd.s32 s2, s1  }
0x5: {  	s1 =	sadd.s32 s1, s17  }
0x6: {  	[smem:$0x3FBD] =	sst s1  }
0x7: {  	_ = 	snop  }
0x8: {  	(tm) =	ssettm $0x1  }
0x9: {  	s18 =	sld [smem:$0x3FFB];
	_ =	sdelay $0x3  }
0xa: {  	_ =	strace s18  }
0xb: {  	s1 =	sld [smem:$0x3FFC];
	_ =	sdelay $0x3  }
0xc: {  	_ =	strace s1  }
0xd: {  	s1 =	sld [smem:$0x3FFD];
	_ =	sdelay $0x3  }
0xe: {  	_ =	strace s1  }
0xf: {  	_ =	strace $0x8FFFFFFF  }
0x10: {  	s19 =	sld [smem:$0x3FDB];
	_ =	sdelay $0x1  }
0x11: {  	s20 =	simm.s32 $_scs_section_size  }
0x12: {  	s4 =	simm.s32 $_size__tile_overlayer_lowered;
	s5 =	simm.s32 $_tile_overlayer_lowered  }
0x13: {  	s23 =	simm.s32 $0x1BFF;
	s22 =	sshll.u32 s5, $0x1;
	s1 =	sadd.s32 s20, s19  }
0x14: {  	s6 =	simm.s32 $0x0;
	s21 =	sshll.u32 s4, $0x1;
	s4 =	sadd.s32 s22, s1  }
0x15: {  	[timem:s6], [sflag:s23] =	dma.local [hbm:s4], s21  }
0x16: {  	_ =	swait.ge [sflag:s23], s21  }
0x17: {  	s2 =	ssub.s32 $0x0, s21;
	[sflag:s23] =	ssyncset.done $0x0  }
0x18: {  	[sflag:s23] =	ssyncadd.s32 s2;
	_ =	sdelay $0x1  }
0x19: {  	s24 =	simm.s32 $0x1B8B  }
0x1a: {  	_ =	swait.ge [sflag:s24], $0x1  }
0x1b: {  	[sflag:s24] =	ssyncset.done $0x0  }
0x1c: {  	s26 =	simm.s32 $0x1B8E;
	s25 =	sld [smem:$0x3FFE];
	[sflag:s24] =	ssyncadd.s32 $0xFFFFFFFF  }
0x1d: {  	s27 =	simm.s32 $execute0_lowered;
	[smem:$0x3FD2] =	sst s26  }
0x1e: {  	s4 =	sshll.u32 s27, $0x1;
	_ =	strace $0x80000046;
	[dreg:$0x1] =	wrdreg $0xFFFFFFFF  }
0x1f: {  	s28 =	simm.s32 $_size_execute0_lowered;
	s1 =	sadd.s32 s1, s4;
	[dreg:$0x0] =	wrdreg $0x0  }
0x20: {  	s4 =	sshll.u32 s28, $0x1;
	[dreg:$0x2] =	wrdreg s1  }
0x21: {  	[dreg:$0x3] =	wrdreg s4  }
0x22: {  	[dreg:$0x4] =	wrdreg $0xC0  }
0x23: {  	_ =	task [dreg:s6], $0x5FFFF  }
0x24: {  	[dreg:$0x1] =	wrdreg $0xFFFFFFFF  }
0x25: {  	[dreg:$0x0] =	wrdreg $0x60  }
0x26: {  	[dreg:$0x2] =	wrdreg s25  }
0x27: {  	[dreg:$0x3] =	wrdreg $0x9  }
0x28: {  	_ =	task.clear_ibuf [dreg:s6], $0x4FFFF;
	_ =	strace $0x90000046  }
0x29: {  	s29 =	simm.s32 $0x9;
	_ =	strace $0x80000048  }
0x2a: {  	_ =	swait.ge [sflag:s29], $0x1  }
0x2b: {  	[sflag:s29] =	ssyncadd.s32 $0xFFFFFFFF  }
0x2c: {  	_ =	strace $0x90000048  }
0x2d: {  	_ =	sfence  }
0x2e: {  	s30 =	sld [smem:$0x0];
	_ =	sdelay $0x2  }
0x2f: {  	s31 =	sshll.u32 s3, $0xD;
	s3 =	sshrl.u32 s3, $0x2  }
0x30: {  	s2 =	sand.u32 $0x4000, s31;
	s1 =	sadd.s32 s3, s30  }
0x31: {  	s0 =	sor.u32 s2, s0;
	s1 =	sshll.u32 s1, $0x11  }
0x32: {  	s0 =	sor.u32 s1, s0  }
0x33: {  	s0 =	sadd.s32 $0x8F2B, s0  }
0x34: {  	[sflag:s0] =	ssyncadd.remote.s32 $0x1  }
0x35: {  	_ =	sfence.sel $0xFFFF  }
0x36: {  	[dreg:$0x0] =	wrdreg $0xFFFFFFFF;
	(pc) =	sbr.abs _section_cstart, $3  }
0x37: {  	[dreg:$0x1] =	wrdreg $0xFFFFFFFF  }
0x38: {  	_ =	task.clear_ibuf [dreg:s6], $0x2FFFF;
	_ =	strace $0x9FFFFFFF  }
0x39: {  	(tm) =	ssettm $0x7FFFFFFF  }
tec
execute0_lowered:
.L_overlay_start_1:
0x0: {  	(tag) =	ssettag $0x1  }
0x1: {  	s0 =	srdreg.scid;
	s4 =	rddreg [dreg:$0x0]  }
0x2: {  	s1 =	stileid.u32;
	s5 =	simm.s32 $0x1;
	s7 =	simm.s32 $0x2  }
0x3: {  	s8 =	simm.s32 $0x0;
	s9 =	simm.s32 $0x0;
	s2 =	sshll.u32 s0, $0x4  }
.Ltmp0:
0x4: {  	s12 =	simm.s32 $0x0;
	s3 =	sand.u32 $0x10, s2;
	(pc) =	sbr.rel .LBB1_1-.Ltmp0, $4  }
0x5: {  	s11 =	simm.s32 $0x0;
	s0 =	rddreg [dreg:$0x1];
	s3 =	sor.u32 s1, s3  }
0x6: {  	_ =	strace $0x80000047;
	s2 =	sadd.s32 $0x4600, s4;
	s6 =	ssub.s32 $0x50F, s3  }
0x7: {  	s4 =	sadd.s32 $0x31A800, s4;
	[sflag:s5] =	ssyncpa.u1 $0x0;
	s6 =	sshrl.u32 s6, $0x5  }
0x8: {  	[sflag:s7] =	ssyncpa.u1 $0x0;
	s10 =	smov.u32 s3;
	s7 =	sadd.s32 $0x1, s6  }
.LBB1_7:
0x9: {  	s14 =	sadd.s32 $0x20, s10  }
0xa: {  	p1 =	sgt.s32 s14, $0x4EF  }
0xb: {  	s14 =	smov.u32 @p1 s3;
	p1 =	sne.s32 s11, s7  }
.Ltmp1:
0xc: {  	p0 =	slt.u32 s11, $0x2;
	(pc) =	sbr.rel @!p1 .LBB1_8-.Ltmp1, $4  }
0xd: {  	s13 =	simm.s32 @!p0 $0x2  }
0xe: {  	s15 =	sadd.s32 $0x1, s11;
	_ =	swait.ge @!p0 [sflag:s13], $0x4000  }
0xf: {  	s12 =	smov.u32 s10;
	s9 =	sadd.s32 $0x4000, s9;
	[sflag:s13] =	ssyncset.done @!p0 $0x0  }
0x10: {  	s11 =	smov.u32 s15;
	s10 =	smov.u32 s14;
	[sflag:s13] =	ssyncadd.s32 @!p0 $0xFFFFC000  }
.LBB1_1:
0x11: {  	p0 =	sge.u32 s11, s6  }
0x12: {  	s13 =	sxor.u32 @!p0 $0xFFFFFFFF, s11  }
0x13: {  	s31 =	sadd.s32 $0xFFFFFFFF, s11;
	s14 =	sshll.u32 @!p0 s10, $0xB;
	s13 =	sshll.u32 @!p0 s13, $0xE  }
0x14: {  	s15 =	simm.s32 @!p0 $0x0;
	s14 =	sadd.s32 @!p0 s2, s14;
	s13 =	sand.u32 @!p0 $0x4000, s13  }
0x15: {  	[tilespmem:s13], [sflag:$0x1] =	stream.linear.gather @!p0 [hbm4b:s14+s15], $0x4000, $0x38;
	[tilespmem:$0x10000] =	vst v63  }
0x16: {  	p0 =	sge.u32 s31, s6  }
.Ltmp2:
0x17: {  	_ = 	snop;
	(pc) =	sbr.rel @p0 .LBB1_7-.Ltmp2, $1  }
0x18: {  	_ =	sdelay $0x3  }
0x19: {  	s14 =	sand.u32 $0x4000, s9  }
0x1a: {  	_ =	swait.ge [sflag:s5], $0x4000;
	s15 =	sshll.u32 s11, $0xE;
	s16 =	simm.s32 $0x0  }
0x1b: {  	s13 =	sor.u32 $0x8040, s14;
	[sflag:s5] =	ssyncset.done $0x0;
	s15 =	sand.u32 $0x4000, s15  }
0x1c: {  	s14 =	sor.u32 $0x40, s14;
	[sflag:s5] =	ssyncadd.s32 $0xFFFFC000;
	s15 =	sor.u32 $0x8000, s15  }
.LBB1_3:
0x1d: {  	v0 =	vmov s14;
	_ =	sdelay $0x3  }
0x1e: {  	s18 =	simm.s32 $0x0  }
0x1f: {  	v6 =	vld.idx.msk [tilespmem:v0+s18+$0x30 ss:$0x1], $0xffff  }
0x20: {  	v7 =	vld.idx.msk [tilespmem:v0+s18+$0xFFFFFFC0 ss:$0x1], $0xffff  }
0x21: {  	v5 =	vld.idx.msk [tilespmem:v0+s18+$0xFFFFFFD0 ss:$0x1], $0xffff  }
0x22: {  	v4 =	vld.idx.msk [tilespmem:v0+s18+$0xFFFFFFE0 ss:$0x1], $0xffff  }
0x23: {  	v3 =	vld.idx.msk [tilespmem:v0+s18+$0xFFFFFFF0 ss:$0x1], $0xffff  }
0x24: {  	v1 =	vld.idx.msk [tilespmem:v0+s18+$0x0 ss:$0x1], $0xffff  }
0x25: {  	v2 =	vld.idx.msk [tilespmem:v0+s18+$0x10 ss:$0x1], $0xffff;
	[tilespmem:s13+$0x30] =	vst v6  }
0x26: {  	s17 =	simm.s32 $0x80;
	s19 =	simm.s32 $0x400;
	[tilespmem:s13+$0xFFFFFFC0] =	vst v7;
	v6 =	vld.idx.msk [tilespmem:v0+s18+$0x20 ss:$0x1], $0xffff;
	s18 =	smov.u32 s13  }
.LBB1_4:
0x27: {  	p0 =	sne.s32 s19, $0xE00;
	v7 =	vld.idx.msk [tilespmem:v0+s17+$0x30 ss:$0x1], $0xffff;
	[tilespmem:s18+$0xFFFFFFD0] =	vst v5  }
0x28: {  	v8 =	vld.idx.msk [tilespmem:v0+s17+$0xFFFFFFC0 ss:$0x1], $0xffff;
	[tilespmem:s18+$0xFFFFFFE0] =	vst v4  }
0x29: {  	v5 =	vld.idx.msk [tilespmem:v0+s17+$0xFFFFFFD0 ss:$0x1], $0xffff;
	[tilespmem:s18+$0xFFFFFFF0] =	vst v3  }
.Ltmp3:
0x2a: {  	v4 =	vld.idx.msk [tilespmem:v0+s17+$0xFFFFFFE0 ss:$0x1], $0xffff;
	[tilespmem:s18+$0x0] =	vst v1;
	(pc) =	sbr.rel @p0 .LBB1_4-.Ltmp3, $4  }
0x2b: {  	v3 =	vld.idx.msk [tilespmem:v0+s17+$0xFFFFFFF0 ss:$0x1], $0xffff;
	[tilespmem:s18+$0x10] =	vst v2  }
0x2c: {  	v1 =	vld.idx.msk [tilespmem:v0+s17+$0x0 ss:$0x1], $0xffff;
	[tilespmem:s18+$0x20] =	vst v6;
	s18 =	sadd.s32 $0x800, s18  }
0x2d: {  	v2 =	vld.idx.msk [tilespmem:v0+s17+$0x10 ss:$0x1], $0xffff;
	[tilespmem:s18+$0x30] =	vst v7  }
0x2e: {  	[tilespmem:s18+$0xFFFFFFC0] =	vst v8;
	v6 =	vld.idx.msk [tilespmem:v0+s17+$0x20 ss:$0x1], $0xffff;
	s17 =	sshra.s32 s19, $0x2;
	s19 =	sadd.s32 $0x200, s19  }
0x2f: {  	_ =	sdelay $0x2  }
0x30: {  	[tilespmem:s18+$0xFFFFFFD0] =	vst v5  }
0x31: {  	v56 =	vld.idx.msk [tilespmem:v0+s17+$0x30 ss:$0x1], $0xffff;
	[tilespmem:s18+$0xFFFFFFE0] =	vst v4  }
0x32: {  	v57 =	vld.idx.msk [tilespmem:v0+s17+$0xFFFFFFC0 ss:$0x1], $0xffff;
	[tilespmem:s18+$0xFFFFFFF0] =	vst v3  }
0x33: {  	v58 =	vld.idx.msk [tilespmem:v0+s17+$0xFFFFFFD0 ss:$0x1], $0xffff;
	[tilespmem:s18+$0x0] =	vst v1  }
0x34: {  	v59 =	vld.idx.msk [tilespmem:v0+s17+$0xFFFFFFE0 ss:$0x1], $0xffff;
	[tilespmem:s18+$0x10] =	vst v2  }
0x35: {  	v60 =	vld.idx.msk [tilespmem:v0+s17+$0xFFFFFFF0 ss:$0x1], $0xffff;
	s31 =	sadd.s32 $0x800, s18;
	[tilespmem:s18+$0x20] =	vst v6  }
0x36: {  	v61 =	vld.idx.msk [tilespmem:v0+s17+$0x0 ss:$0x1], $0xffff;
	[tilespmem:s31+$0x30] =	vst v56  }
0x37: {  	v62 =	vld.idx.msk [tilespmem:v0+s17+$0x10 ss:$0x1], $0xffff;
	s16 =	sadd.s32 $0x1, s16;
	[tilespmem:s31+$0xFFFFFFC0] =	vst v57  }
0x38: {  	v63 =	vld.idx.msk [tilespmem:v0+s17+$0x20 ss:$0x1], $0xffff;
	p0 =	sne.s32 s16, $0x10;
	[tilespmem:s31+$0xFFFFFFD0] =	vst v58  }
.Ltmp4:
0x39: {  	[tilespmem:s31+$0xFFFFFFE0] =	vst v59;
	(pc) =	sbr.rel @p0 .LBB1_3-.Ltmp4, $4  }
0x3a: {  	[tilespmem:s31+$0xFFFFFFF0] =	vst v60  }
0x3b: {  	[tilespmem:s31+$0x0] =	vst v61  }
0x3c: {  	[tilespmem:s31+$0x10] =	vst v62  }
0x3d: {  	s13 =	sadd.s32 $0x80, s13;
	s14 =	sadd.s32 $0x400, s14;
	[tilespmem:s31+$0x20] =	vst v63  }
.Ltmp5:
0x3e: {  	(pc) =	sbr.rel .LBB1_7-.Ltmp5, $4  }
0x3f: {  	_ = 	snop  }
0x40: {  	s12 =	sshll.u32 s12, $0xB  }
0x41: {  	s12 =	sadd.s32 s4, s12  }
0x42: {  	[hbm4b:s12+s8] =	stream.linear.scatter [tilespmem:s15], [sflag:$0x2], $0x4000, $0x38;
	[tilespmem:$0x10000] =	vst v63  }
.LBB1_8:
0x43: {  	_ =	sfence.sel $0x180000  }
0x44: {  	s2 =	simm.s32 $0x1;
	[bflag:$0x0] =	sbarrier.arrive $0xFFFF  }
0x45: {  	s31 =	simm.s32 $0x2;
	[sflag:s2] =	ssyncpa.u1 $0x1  }
0x46: {  	[sflag:s31] =	ssyncpa.u1 $0x1  }
0x47: {  	p0 =	sne.s32 s1, $0x0;
	_ =	strace $0x90000047  }
0x48: {  	s0 =	sadd.s32 @!p0 $0x100000, s0;
	[bflag:$0x2] =	sbarrier.arrive $0xFFFF  }
0x49: {  	[sflag:s0] =	ssyncadd.tile.s32 @!p0 $0x1;
	_ =	shalt  }
.Lfunc_end1:
_tile_overlayer_lowered:
.L_overlay_start_2:
0x4a: {  	(tag) =	ssettag $0x2  }
0x4b: {  	s0 =	rddreg [dreg:$0x0];
	s2 =	stileid.u32  }
0x4c: {  	s1 =	rddreg [dreg:$0x1];
	p0 =	sne.s32 s2, $0x0  }
0x4d: {  	s3 =	rddreg [dreg:$0x2];
	[bflag:$0x3] =	sbarrier.arrive $0xFFFF;
	s2 =	simm.s32 @!p0 $0x1C01  }
0x4e: {  	[timem:s3], [sflag:s2] =	dma.local @!p0 [hbm:s0], s1  }
0x4f: {  	s0 =	simm.s32 @!p0 $0x1  }
0x50: {  	_ =	swait.ge @!p0 [sflag:s0], s1  }
0x51: {  	s1 =	ssub.s32 @!p0 $0x0, s1;
	[sflag:s0] =	ssyncset.done @!p0 $0x0  }
0x52: {  	[sflag:s0] =	ssyncadd.s32 @!p0 s1  }
0x53: {  	[bflag:$0x3] =	sbarrier.arrive $0xFFFF  }
0x54: {  	_ =	shalt  }

</sc_bundles>
